<compile_context>
chip_gen: v7x
topology: tpu7x:2x2x1
jax: 0.10.2.dev20260603
libtpu: 0.0.44.dev20260713+nightly
codegen_flags: <defaults>
</compile_context>

<pallas_src>
import functools

import jax
import jax.numpy as jnp
from jax import lax
from jax.experimental import pallas as pl
from jax.experimental.pallas import tpu as pltpu
from jax.experimental.pallas import tpu_sc as plsc

N, DIM, K = 4096, 32, 8192
D2 = 2 * DIM
BN = 2048
BK = 2048

NC, NS, L = 2, 16, 16
NW = NC * NS
CHUNK = N // NW


def _argmin_body(z_ref, w_ref, x2_ref, w2_ref, idx_ref, wpad_ref):
    z = z_ref[...]
    zm2 = z * (-2.0)
    x2 = x2_ref[...]
    iota_f = lax.broadcasted_iota(jnp.int32, (BN, BK), 1).astype(jnp.float32)
    best_d = jnp.full((BN, 1), jnp.inf, jnp.float32)
    best_i = jnp.zeros((BN, 1), jnp.float32)
    for j in range(K // BK):
        w = w_ref[j * BK:(j + 1) * BK, :]
        w2 = w2_ref[:, j * BK:(j + 1) * BK]
        s = lax.dot_general(zm2, w, (((1,), (1,)), ((), ())),
                            preferred_element_type=jnp.float32)
        d2 = (x2 + w2) + s
        d = d2 * lax.rsqrt(d2)
        m = jnp.min(d, axis=1, keepdims=True)
        ii = jnp.where(d == m, iota_f, 65536.0)
        mi = jnp.min(ii, axis=1, keepdims=True)
        upd = m < best_d
        best_i = jnp.where(upd, mi + jnp.float32(j * BK), best_i)
        best_d = jnp.where(upd, m, best_d)
    idx_ref[...] = best_i.astype(jnp.int32)

    KS = K // (N // BN)
    wpad_ref[:, :D2] = w_ref[pl.ds(pl.program_id(0) * KS, KS), :]


def _tc_argmin(z_flat, W, x2, w2):
    return pl.pallas_call(
        _argmin_body,
        grid=(N // BN,),
        in_specs=[
            pl.BlockSpec((BN, D2), lambda i: (i, 0)),
            pl.BlockSpec((K, D2), lambda i: (0, 0)),
            pl.BlockSpec((BN, 1), lambda i: (i, 0)),
            pl.BlockSpec((1, K), lambda i: (0, 0)),
        ],
        out_specs=[
            pl.BlockSpec((BN, 1), lambda i: (i, 0)),
            pl.BlockSpec((K // (N // BN), 128), lambda i: (i, 0)),
        ],
        out_shape=[
            jax.ShapeDtypeStruct((N, 1), jnp.int32),
            jax.ShapeDtypeStruct((K, 128), jnp.float32),
        ],
    )(z_flat, W, x2, w2)


def _sc_body(idx_hbm, w_hbm, zq_hbm, counts_hbm,
             idx_v, rows_v, ones_v, zseg_v, counts_sp, sem):
    c = lax.axis_index("c")
    s = lax.axis_index("s")
    wid = s * NC + c
    base = wid * CHUNK

    pltpu.sync_copy(idx_hbm.at[pl.ds(base, CHUNK)], idx_v)
    gather = pltpu.async_copy(w_hbm.at[idx_v], rows_v, sem)

    seg = K // NS
    for i in range(seg // L):
        zseg_v[pl.ds(i * L, L)] = jnp.zeros((L,), jnp.float32)
    pltpu.sync_copy(zseg_v, counts_sp.at[pl.ds(s * seg, seg)])
    for i in range(CHUNK // L):
        ones_v[pl.ds(i * L, L)] = jnp.full((L,), 1.0, jnp.float32)
    plsc.subcore_barrier()

    pltpu.sync_copy(ones_v, counts_sp.at[idx_v], add=True)
    plsc.subcore_barrier()

    @pl.when(s == 0)
    def _():
        pltpu.sync_copy(counts_sp, counts_hbm.at[c])

    gather.wait()
    pltpu.sync_copy(rows_v, zq_hbm.at[pl.ds(base, CHUNK)])


def _sc_gather_hist(indices, w_pad):
    kern = functools.partial(
        pl.kernel,
        mesh=plsc.VectorSubcoreMesh(core_axis_name="c", subcore_axis_name="s"),
        out_type=(
            jax.ShapeDtypeStruct((N, 128), jnp.float32),
            jax.ShapeDtypeStruct((NC, K), jnp.float32),
        ),
        scratch_types=[
            pltpu.VMEM((CHUNK,), jnp.int32),
            pltpu.VMEM((CHUNK, 128), jnp.float32),
            pltpu.VMEM((CHUNK,), jnp.float32),
            pltpu.VMEM((K // NS,), jnp.float32),
            pltpu.VMEM_SHARED((K,), jnp.float32),
            pltpu.SemaphoreType.DMA,
        ],
    )(_sc_body)
    return kern(indices, w_pad)


def _loss_body(zq_ref, z_ref, counts_ref, re_ref, im_ref, loss_ref, perp_ref):
    zq = zq_ref[:, :D2]
    z = z_ref[...]
    diff = zq - z
    m = jnp.sum(diff * diff, keepdims=True) * (1.0 / (N * D2))
    loss_ref[...] = m + 0.25 * m
    zst = z + (zq - z)
    re_ref[...] = zst[:, :DIM]
    im_ref[...] = zst[:, DIM:]
    p = jnp.sum(counts_ref[...], axis=0, keepdims=True) * (1.0 / N)
    plogp = p * jnp.log(p + 1e-10)
    perp_ref[...] = jnp.exp(-jnp.sum(plogp, axis=1, keepdims=True))


def _tc_epilogue(zq_pad, z_flat, counts):
    return pl.pallas_call(
        _loss_body,
        out_shape=(
            jax.ShapeDtypeStruct((N, DIM), jnp.float32),
            jax.ShapeDtypeStruct((N, DIM), jnp.float32),
            jax.ShapeDtypeStruct((1, 1), jnp.float32),
            jax.ShapeDtypeStruct((1, 1), jnp.float32),
        ),
    )(zq_pad, z_flat, counts)


def kernel(z_real, z_imag, W):
    z_flat = jnp.concatenate([z_real, z_imag], axis=-1)
    x2 = jnp.sum(z_flat * z_flat, axis=-1, keepdims=True)
    w2 = jnp.sum(W * W, axis=-1)[None, :]
    idx2d, w_pad = _tc_argmin(z_flat, W, x2, w2)
    indices = jnp.reshape(idx2d, (N,))
    zq_pad, counts = _sc_gather_hist(indices, w_pad)
    re, im, loss, perp = _tc_epilogue(zq_pad, z_flat, counts)
    z_q_c = lax.complex(re, im)
    return z_q_c, jnp.reshape(loss, ()), jnp.reshape(perp, ())

# --- scband reference (transcript-rebuilt; emitter-appended) ---
"""Pipeline reference for scband-stabilized-vq-23536420782588 (READ-ONLY COPY).

The authoritative reference and input builder live on the scoring server;
editing this copy changes nothing except your own understanding.
"""

import jax, jax.numpy as jnp
import numpy as np

N, DIM, K = 4096, 32, 8192

def setup_inputs(seed: int = 0) -> dict:
    key = jax.random.key(seed)
    k1, k2, k3 = jax.random.split(key, 3)
    z_real = jax.random.normal(k1, (N, DIM), dtype=jnp.float32)
    z_imag = jax.random.normal(k2, (N, DIM), dtype=jnp.float32)
    W = jax.random.normal(k3, (K, 2 * DIM), dtype=jnp.float32)
    # approximate orthogonal init: normalize rows (exact QR-based orthogonal init
    # is not needed for a numerical reference; scale statistics are comparable)
    W = W / jnp.linalg.norm(W, axis=-1, keepdims=True)
    return {"z_real": z_real, "z_imag": z_imag, "W": W}

def reference(z_real, z_imag, W):
    # torch forward takes complex z; here z = z_real + 1j*z_imag
    z_flat = jnp.concatenate([z_real, z_imag], axis=-1)  # [N, 2*DIM]
    # torch.cdist (euclidean) between z_flat [N,1,2d] and W [1,K,2d] -> [N,K]
    x2 = jnp.sum(z_flat * z_flat, axis=-1, keepdims=True)          # [N,1]
    w2 = jnp.sum(W * W, axis=-1)[None, :]                          # [1,K]
    d2 = x2 + w2 - 2.0 * (z_flat @ W.T)
    d = jnp.sqrt(jnp.maximum(d2, 0.0))
    indices = jnp.argmin(d, axis=-1)                               # [N]
    z_q = jnp.take(W, indices, axis=0)                             # embedding lookup [N, 2*DIM]
    commitment_loss = jnp.mean((jax.lax.stop_gradient(z_q) - z_flat) ** 2)
    codebook_loss = jnp.mean((z_q - jax.lax.stop_gradient(z_flat)) ** 2)
    vq_loss = codebook_loss + 0.25 * commitment_loss
    z_q_st = z_flat + jax.lax.stop_gradient(z_q - z_flat)          # straight-through
    encodings = jax.nn.one_hot(indices, K, dtype=jnp.float32)      # [N, K]
    avg_probs = jnp.mean(encodings, axis=0)
    perplexity = jnp.exp(-jnp.sum(avg_probs * jnp.log(avg_probs + 1e-10)))
    z_q_c = z_q_st[..., :DIM] + 1j * z_q_st[..., DIM:]
    return z_q_c, vq_loss, perplexity

if __name__ == "__main__":
    import jax
    _d = setup_inputs()
    print(jax.jit(kernel)(*tuple(_d.values())))

</pallas_src>

<mosaic_0001>
#map = affine_map<(d0, d1) -> (0)>
#map1 = affine_map<(d0, d1) -> (0, 0)>
module attributes {stable_mosaic.version = 14 : i64} {
  func.func @_sc_body(%arg0: i32, %arg1: i32, %arg2: memref<4096xi32, #tpu.memory_space<hbm>>, %arg3: memref<8192x128xf32, #tpu.memory_space<hbm>>, %arg4: memref<4096x128xf32, #tpu.memory_space<hbm>>, %arg5: memref<2x8192xf32, #tpu.memory_space<hbm>>, %arg6: memref<128xi32, #tpu.memory_space<vmem>>, %arg7: memref<128x128xf32, #tpu.memory_space<vmem>>, %arg8: memref<128xf32, #tpu.memory_space<vmem>>, %arg9: memref<512xf32, #tpu.memory_space<vmem>>, %arg10: memref<8192xf32, #tpu.memory_space<vmem_shared>>, %arg11: memref<!tpu.dma_semaphore, #tpu.memory_space<semaphore_mem>>) attributes {dimension_semantics = [#tpu.dimension_semantics<core_parallel>, #tpu.dimension_semantics<subcore_parallel>], iteration_bounds = array<i64: 2, 16>, scalar_prefetch = 0 : i64, scratch_operands = 6 : i64, tpu.core_type = #tpu.core_type<sc_vector_subcore>, window_params = [{transform_indices = #map}, {transform_indices = #map1}, {transform_indices = #map1}, {transform_indices = #map1}]} {
    %mul3A = arith.constant 2 : i32
    %mul3A_0 = arith.muli %arg1, %mul3A : i32
    %add3A = arith.addi %mul3A_0, %arg0 : i32
    %mul3A_1 = arith.constant 128 : i32
    %mul3A_2 = arith.muli %add3A, %mul3A_1 : i32
    "tpu.region"() ({
      %run_scoped3A = tpu.sem_alloc : memref<!tpu.dma_semaphore, #tpu.memory_space<semaphore_mem>>
      %dma_start3A_250 = tpu.memref_slice %arg2[%mul3A_2] : memref<4096xi32, #tpu.memory_space<hbm>> -> memref<128xi32, #tpu.memory_space<hbm>>
      %dma_start3A_251 = tpu.memref_slice %arg2[%mul3A_2] : memref<4096xi32, #tpu.memory_space<hbm>> -> memref<128xi32, #tpu.memory_space<hbm>>
      tpu.enqueue_dma source(%dma_start3A_251 : memref<128xi32, #tpu.memory_space<hbm>>) target(%arg6 : memref<128xi32, #tpu.memory_space<vmem>>) target_semaphore(%run_scoped3A : memref<!tpu.dma_semaphore, #tpu.memory_space<semaphore_mem>>)
      %dma_wait3A_252 = tpu.memref_slice %arg2[%mul3A_2] : memref<4096xi32, #tpu.memory_space<hbm>> -> memref<128xi32, #tpu.memory_space<hbm>>
      %dma_wait3A_253 = tpu.memref_slice %arg2[%mul3A_2] : memref<4096xi32, #tpu.memory_space<hbm>> -> memref<128xi32, #tpu.memory_space<hbm>>
      tpu.wait_dma2 semaphore(%run_scoped3A : memref<!tpu.dma_semaphore, #tpu.memory_space<semaphore_mem>>) src(%dma_wait3A_253 : memref<128xi32, #tpu.memory_space<hbm>>) dst(%arg6 : memref<128xi32, #tpu.memory_space<vmem>>)
      tpu.yield
    }) : () -> ()
    %dma_start3A = arith.constant 0 : i32
    %dma_start3A_3 = arith.constant 0 : i32
    %dma_start3A_4 = tpu.memref_slice %arg3[%dma_start3A, %dma_start3A_3] : memref<8192x128xf32, #tpu.memory_space<hbm>> -> memref<8192x128xf32, #tpu.memory_space<hbm>>
    tpu.enqueue_indirect_dma source(%dma_start3A_4 : memref<8192x128xf32, #tpu.memory_space<hbm>>) target(%arg7 : memref<128x128xf32, #tpu.memory_space<vmem>>) offsets(%arg6 : memref<128xi32, #tpu.memory_space<vmem>>) semaphore(%arg11 : memref<!tpu.dma_semaphore, #tpu.memory_space<semaphore_mem>>)
    %broadcast_in_dim3A = arith.constant 0.000000e+00 : f32
    %broadcast_in_dim3A_5 = vector.broadcast %broadcast_in_dim3A : f32 to vector<16xf32>
    %swap3A = arith.constant 0 : index
    %swap3A_6 = tpu.vector_load %arg9[%swap3A] {strides = array<i32>} : memref<512xf32, #tpu.memory_space<vmem>>, vector<16xf32>,
    %swap3A_7 = vector.shape_cast %swap3A_6 : vector<16xf32> to vector<16xf32>
    %swap3A_8 = vector.shape_cast %broadcast_in_dim3A_5 : vector<16xf32> to vector<16xf32>
    tpu.vector_store %arg9[%swap3A], %swap3A_8 {strides = array<i32>} : memref<512xf32, #tpu.memory_space<vmem>>, vector<16xf32>,
    %broadcast_in_dim3A_9 = arith.constant 0.000000e+00 : f32
    %broadcast_in_dim3A_10 = vector.broadcast %broadcast_in_dim3A_9 : f32 to vector<16xf32>
    %swap3A_11 = arith.constant 16 : index
    %swap3A_12 = tpu.vector_load %arg9[%swap3A_11] {strides = array<i32>} : memref<512xf32, #tpu.memory_space<vmem>>, vector<16xf32>,
    %swap3A_13 = vector.shape_cast %swap3A_12 : vector<16xf32> to vector<16xf32>
    %swap3A_14 = vector.shape_cast %broadcast_in_dim3A_10 : vector<16xf32> to vector<16xf32>
    tpu.vector_store %arg9[%swap3A_11], %swap3A_14 {strides = array<i32>} : memref<512xf32, #tpu.memory_space<vmem>>, vector<16xf32>,
    %broadcast_in_dim3A_15 = arith.constant 0.000000e+00 : f32
    %broadcast_in_dim3A_16 = vector.broadcast %broadcast_in_dim3A_15 : f32 to vector<16xf32>
    %swap3A_17 = arith.constant 32 : index
    %swap3A_18 = tpu.vector_load %arg9[%swap3A_17] {strides = array<i32>} : memref<512xf32, #tpu.memory_space<vmem>>, vector<16xf32>,
    %swap3A_19 = vector.shape_cast %swap3A_18 : vector<16xf32> to vector<16xf32>
    %swap3A_20 = vector.shape_cast %broadcast_in_dim3A_16 : vector<16xf32> to vector<16xf32>
    tpu.vector_store %arg9[%swap3A_17], %swap3A_20 {strides = array<i32>} : memref<512xf32, #tpu.memory_space<vmem>>, vector<16xf32>,
    %broadcast_in_dim3A_21 = arith.constant 0.000000e+00 : f32
    %broadcast_in_dim3A_22 = vector.broadcast %broadcast_in_dim3A_21 : f32 to vector<16xf32>
    %swap3A_23 = arith.constant 48 : index
    %swap3A_24 = tpu.vector_load %arg9[%swap3A_23] {strides = array<i32>} : memref<512xf32, #tpu.memory_space<vmem>>, vector<16xf32>,
    %swap3A_25 = vector.shape_cast %swap3A_24 : vector<16xf32> to vector<16xf32>
    %swap3A_26 = vector.shape_cast %broadcast_in_dim3A_22 : vector<16xf32> to vector<16xf32>
    tpu.vector_store %arg9[%swap3A_23], %swap3A_26 {strides = array<i32>} : memref<512xf32, #tpu.memory_space<vmem>>, vector<16xf32>,
    %broadcast_in_dim3A_27 = arith.constant 0.000000e+00 : f32
    %broadcast_in_dim3A_28 = vector.broadcast %broadcast_in_dim3A_27 : f32 to vector<16xf32>
    %swap3A_29 = arith.constant 64 : index
    %swap3A_30 = tpu.vector_load %arg9[%swap3A_29] {strides = array<i32>} : memref<512xf32, #tpu.memory_space<vmem>>, vector<16xf32>,
    %swap3A_31 = vector.shape_cast %swap3A_30 : vector<16xf32> to vector<16xf32>
    %swap3A_32 = vector.shape_cast %broadcast_in_dim3A_28 : vector<16xf32> to vector<16xf32>
    tpu.vector_store %arg9[%swap3A_29], %swap3A_32 {strides = array<i32>} : memref<512xf32, #tpu.memory_space<vmem>>, vector<16xf32>,
    %broadcast_in_dim3A_33 = arith.constant 0.000000e+00 : f32
    %broadcast_in_dim3A_34 = vector.broadcast %broadcast_in_dim3A_33 : f32 to vector<16xf32>
    %swap3A_35 = arith.constant 80 : index
    %swap3A_36 = tpu.vector_load %arg9[%swap3A_35] {strides = array<i32>} : memref<512xf32, #tpu.memory_space<vmem>>, vector<16xf32>,
    %swap3A_37 = vector.shape_cast %swap3A_36 : vector<16xf32> to vector<16xf32>
    %swap3A_38 = vector.shape_cast %broadcast_in_dim3A_34 : vector<16xf32> to vector<16xf32>
    tpu.vector_store %arg9[%swap3A_35], %swap3A_38 {strides = array<i32>} : memref<512xf32, #tpu.memory_space<vmem>>, vector<16xf32>,
    %broadcast_in_dim3A_39 = arith.constant 0.000000e+00 : f32
    %broadcast_in_dim3A_40 = vector.broadcast %broadcast_in_dim3A_39 : f32 to vector<16xf32>
    %swap3A_41 = arith.constant 96 : index
    %swap3A_42 = tpu.vector_load %arg9[%swap3A_41] {strides = array<i32>} : memref<512xf32, #tpu.memory_space<vmem>>, vector<16xf32>,
    %swap3A_43 = vector.shape_cast %swap3A_42 : vector<16xf32> to vector<16xf32>
    %swap3A_44 = vector.shape_cast %broadcast_in_dim3A_40 : vector<16xf32> to vector<16xf32>
    tpu.vector_store %arg9[%swap3A_41], %swap3A_44 {strides = array<i32>} : memref<512xf32, #tpu.memory_space<vmem>>, vector<16xf32>,
    %broadcast_in_dim3A_45 = arith.constant 0.000000e+00 : f32
    %broadcast_in_dim3A_46 = vector.broadcast %broadcast_in_dim3A_45 : f32 to vector<16xf32>
    %swap3A_47 = arith.constant 112 : index
    %swap3A_48 = tpu.vector_load %arg9[%swap3A_47] {strides = array<i32>} : memref<512xf32, #tpu.memory_space<vmem>>, vector<16xf32>,
    %swap3A_49 = vector.shape_cast %swap3A_48 : vector<16xf32> to vector<16xf32>
    %swap3A_50 = vector.shape_cast %broadcast_in_dim3A_46 : vector<16xf32> to vector<16xf32>
    tpu.vector_store %arg9[%swap3A_47], %swap3A_50 {strides = array<i32>} : memref<512xf32, #tpu.memory_space<vmem>>, vector<16xf32>,
    %broadcast_in_dim3A_51 = arith.constant 0.000000e+00 : f32
    %broadcast_in_dim3A_52 = vector.broadcast %broadcast_in_dim3A_51 : f32 to vector<16xf32>
    %swap3A_53 = arith.constant 128 : index
    %swap3A_54 = tpu.vector_load %arg9[%swap3A_53] {strides = array<i32>} : memref<512xf32, #tpu.memory_space<vmem>>, vector<16xf32>,
    %swap3A_55 = vector.shape_cast %swap3A_54 : vector<16xf32> to vector<16xf32>
    %swap3A_56 = vector.shape_cast %broadcast_in_dim3A_52 : vector<16xf32> to vector<16xf32>
    tpu.vector_store %arg9[%swap3A_53], %swap3A_56 {strides = array<i32>} : memref<512xf32, #tpu.memory_space<vmem>>, vector<16xf32>,
    %broadcast_in_dim3A_57 = arith.constant 0.000000e+00 : f32
    %broadcast_in_dim3A_58 = vector.broadcast %broadcast_in_dim3A_57 : f32 to vector<16xf32>
    %swap3A_59 = arith.constant 144 : index
    %swap3A_60 = tpu.vector_load %arg9[%swap3A_59] {strides = array<i32>} : memref<512xf32, #tpu.memory_space<vmem>>, vector<16xf32>,
    %swap3A_61 = vector.shape_cast %swap3A_60 : vector<16xf32> to vector<16xf32>
    %swap3A_62 = vector.shape_cast %broadcast_in_dim3A_58 : vector<16xf32> to vector<16xf32>
    tpu.vector_store %arg9[%swap3A_59], %swap3A_62 {strides = array<i32>} : memref<512xf32, #tpu.memory_space<vmem>>, vector<16xf32>,
    %broadcast_in_dim3A_63 = arith.constant 0.000000e+00 : f32
    %broadcast_in_dim3A_64 = vector.broadcast %broadcast_in_dim3A_63 : f32 to vector<16xf32>
    %swap3A_65 = arith.constant 160 : index
    %swap3A_66 = tpu.vector_load %arg9[%swap3A_65] {strides = array<i32>} : memref<512xf32, #tpu.memory_space<vmem>>, vector<16xf32>,
    %swap3A_67 = vector.shape_cast %swap3A_66 : vector<16xf32> to vector<16xf32>
    %swap3A_68 = vector.shape_cast %broadcast_in_dim3A_64 : vector<16xf32> to vector<16xf32>
    tpu.vector_store %arg9[%swap3A_65], %swap3A_68 {strides = array<i32>} : memref<512xf32, #tpu.memory_space<vmem>>, vector<16xf32>,
    %broadcast_in_dim3A_69 = arith.constant 0.000000e+00 : f32
    %broadcast_in_dim3A_70 = vector.broadcast %broadcast_in_dim3A_69 : f32 to vector<16xf32>
    %swap3A_71 = arith.constant 176 : index
    %swap3A_72 = tpu.vector_load %arg9[%swap3A_71] {strides = array<i32>} : memref<512xf32, #tpu.memory_space<vmem>>, vector<16xf32>,
    %swap3A_73 = vector.shape_cast %swap3A_72 : vector<16xf32> to vector<16xf32>
    %swap3A_74 = vector.shape_cast %broadcast_in_dim3A_70 : vector<16xf32> to vector<16xf32>
    tpu.vector_store %arg9[%swap3A_71], %swap3A_74 {strides = array<i32>} : memref<512xf32, #tpu.memory_space<vmem>>, vector<16xf32>,
    %broadcast_in_dim3A_75 = arith.constant 0.000000e+00 : f32
    %broadcast_in_dim3A_76 = vector.broadcast %broadcast_in_dim3A_75 : f32 to vector<16xf32>
    %swap3A_77 = arith.constant 192 : index
    %swap3A_78 = tpu.vector_load %arg9[%swap3A_77] {strides = array<i32>} : memref<512xf32, #tpu.memory_space<vmem>>, vector<16xf32>,
    %swap3A_79 = vector.shape_cast %swap3A_78 : vector<16xf32> to vector<16xf32>
    %swap3A_80 = vector.shape_cast %broadcast_in_dim3A_76 : vector<16xf32> to vector<16xf32>
    tpu.vector_store %arg9[%swap3A_77], %swap3A_80 {strides = array<i32>} : memref<512xf32, #tpu.memory_space<vmem>>, vector<16xf32>,
    %broadcast_in_dim3A_81 = arith.constant 0.000000e+00 : f32
    %broadcast_in_dim3A_82 = vector.broadcast %broadcast_in_dim3A_81 : f32 to vector<16xf32>
    %swap3A_83 = arith.constant 208 : index
    %swap3A_84 = tpu.vector_load %arg9[%swap3A_83] {strides = array<i32>} : memref<512xf32, #tpu.memory_space<vmem>>, vector<16xf32>,
    %swap3A_85 = vector.shape_cast %swap3A_84 : vector<16xf32> to vector<16xf32>
    %swap3A_86 = vector.shape_cast %broadcast_in_dim3A_82 : vector<16xf32> to vector<16xf32>
    tpu.vector_store %arg9[%swap3A_83], %swap3A_86 {strides = array<i32>} : memref<512xf32, #tpu.memory_space<vmem>>, vector<16xf32>,
    %broadcast_in_dim3A_87 = arith.constant 0.000000e+00 : f32
    %broadcast_in_dim3A_88 = vector.broadcast %broadcast_in_dim3A_87 : f32 to vector<16xf32>
    %swap3A_89 = arith.constant 224 : index
    %swap3A_90 = tpu.vector_load %arg9[%swap3A_89] {strides = array<i32>} : memref<512xf32, #tpu.memory_space<vmem>>, vector<16xf32>,
    %swap3A_91 = vector.shape_cast %swap3A_90 : vector<16xf32> to vector<16xf32>
    %swap3A_92 = vector.shape_cast %broadcast_in_dim3A_88 : vector<16xf32> to vector<16xf32>
    tpu.vector_store %arg9[%swap3A_89], %swap3A_92 {strides = array<i32>} : memref<512xf32, #tpu.memory_space<vmem>>, vector<16xf32>,
    %broadcast_in_dim3A_93 = arith.constant 0.000000e+00 : f32
    %broadcast_in_dim3A_94 = vector.broadcast %broadcast_in_dim3A_93 : f32 to vector<16xf32>
    %swap3A_95 = arith.constant 240 : index
    %swap3A_96 = tpu.vector_load %arg9[%swap3A_95] {strides = array<i32>} : memref<512xf32, #tpu.memory_space<vmem>>, vector<16xf32>,
    %swap3A_97 = vector.shape_cast %swap3A_96 : vector<16xf32> to vector<16xf32>
    %swap3A_98 = vector.shape_cast %broadcast_in_dim3A_94 : vector<16xf32> to vector<16xf32>
    tpu.vector_store %arg9[%swap3A_95], %swap3A_98 {strides = array<i32>} : memref<512xf32, #tpu.memory_space<vmem>>, vector<16xf32>,
    %broadcast_in_dim3A_99 = arith.constant 0.000000e+00 : f32
    %broadcast_in_dim3A_100 = vector.broadcast %broadcast_in_dim3A_99 : f32 to vector<16xf32>
    %swap3A_101 = arith.constant 256 : index
    %swap3A_102 = tpu.vector_load %arg9[%swap3A_101] {strides = array<i32>} : memref<512xf32, #tpu.memory_space<vmem>>, vector<16xf32>,
    %swap3A_103 = vector.shape_cast %swap3A_102 : vector<16xf32> to vector<16xf32>
    %swap3A_104 = vector.shape_cast %broadcast_in_dim3A_100 : vector<16xf32> to vector<16xf32>
    tpu.vector_store %arg9[%swap3A_101], %swap3A_104 {strides = array<i32>} : memref<512xf32, #tpu.memory_space<vmem>>, vector<16xf32>,
    %broadcast_in_dim3A_105 = arith.constant 0.000000e+00 : f32
    %broadcast_in_dim3A_106 = vector.broadcast %broadcast_in_dim3A_105 : f32 to vector<16xf32>
    %swap3A_107 = arith.constant 272 : index
    %swap3A_108 = tpu.vector_load %arg9[%swap3A_107] {strides = array<i32>} : memref<512xf32, #tpu.memory_space<vmem>>, vector<16xf32>,
    %swap3A_109 = vector.shape_cast %swap3A_108 : vector<16xf32> to vector<16xf32>
    %swap3A_110 = vector.shape_cast %broadcast_in_dim3A_106 : vector<16xf32> to vector<16xf32>
    tpu.vector_store %arg9[%swap3A_107], %swap3A_110 {strides = array<i32>} : memref<512xf32, #tpu.memory_space<vmem>>, vector<16xf32>,
    %broadcast_in_dim3A_111 = arith.constant 0.000000e+00 : f32
    %broadcast_in_dim3A_112 = vector.broadcast %broadcast_in_dim3A_111 : f32 to vector<16xf32>
    %swap3A_113 = arith.constant 288 : index
    %swap3A_114 = tpu.vector_load %arg9[%swap3A_113] {strides = array<i32>} : memref<512xf32, #tpu.memory_space<vmem>>, vector<16xf32>,
    %swap3A_115 = vector.shape_cast %swap3A_114 : vector<16xf32> to vector<16xf32>
    %swap3A_116 = vector.shape_cast %broadcast_in_dim3A_112 : vector<16xf32> to vector<16xf32>
    tpu.vector_store %arg9[%swap3A_113], %swap3A_116 {strides = array<i32>} : memref<512xf32, #tpu.memory_space<vmem>>, vector<16xf32>,
    %broadcast_in_dim3A_117 = arith.constant 0.000000e+00 : f32
    %broadcast_in_dim3A_118 = vector.broadcast %broadcast_in_dim3A_117 : f32 to vector<16xf32>
    %swap3A_119 = arith.constant 304 : index
    %swap3A_120 = tpu.vector_load %arg9[%swap3A_119] {strides = array<i32>} : memref<512xf32, #tpu.memory_space<vmem>>, vector<16xf32>,
    %swap3A_121 = vector.shape_cast %swap3A_120 : vector<16xf32> to vector<16xf32>
    %swap3A_122 = vector.shape_cast %broadcast_in_dim3A_118 : vector<16xf32> to vector<16xf32>
    tpu.vector_store %arg9[%swap3A_119], %swap3A_122 {strides = array<i32>} : memref<512xf32, #tpu.memory_space<vmem>>, vector<16xf32>,
    %broadcast_in_dim3A_123 = arith.constant 0.000000e+00 : f32
    %broadcast_in_dim3A_124 = vector.broadcast %broadcast_in_dim3A_123 : f32 to vector<16xf32>
    %swap3A_125 = arith.constant 320 : index
    %swap3A_126 = tpu.vector_load %arg9[%swap3A_125] {strides = array<i32>} : memref<512xf32, #tpu.memory_space<vmem>>, vector<16xf32>,
    %swap3A_127 = vector.shape_cast %swap3A_126 : vector<16xf32> to vector<16xf32>
    %swap3A_128 = vector.shape_cast %broadcast_in_dim3A_124 : vector<16xf32> to vector<16xf32>
    tpu.vector_store %arg9[%swap3A_125], %swap3A_128 {strides = array<i32>} : memref<512xf32, #tpu.memory_space<vmem>>, vector<16xf32>,
    %broadcast_in_dim3A_129 = arith.constant 0.000000e+00 : f32
    %broadcast_in_dim3A_130 = vector.broadcast %broadcast_in_dim3A_129 : f32 to vector<16xf32>
    %swap3A_131 = arith.constant 336 : index
    %swap3A_132 = tpu.vector_load %arg9[%swap3A_131] {strides = array<i32>} : memref<512xf32, #tpu.memory_space<vmem>>, vector<16xf32>,
    %swap3A_133 = vector.shape_cast %swap3A_132 : vector<16xf32> to vector<16xf32>
    %swap3A_134 = vector.shape_cast %broadcast_in_dim3A_130 : vector<16xf32> to vector<16xf32>
    tpu.vector_store %arg9[%swap3A_131], %swap3A_134 {strides = array<i32>} : memref<512xf32, #tpu.memory_space<vmem>>, vector<16xf32>,
    %broadcast_in_dim3A_135 = arith.constant 0.000000e+00 : f32
    %broadcast_in_dim3A_136 = vector.broadcast %broadcast_in_dim3A_135 : f32 to vector<16xf32>
    %swap3A_137 = arith.constant 352 : index
    %swap3A_138 = tpu.vector_load %arg9[%swap3A_137] {strides = array<i32>} : memref<512xf32, #tpu.memory_space<vmem>>, vector<16xf32>,
    %swap3A_139 = vector.shape_cast %swap3A_138 : vector<16xf32> to vector<16xf32>
    %swap3A_140 = vector.shape_cast %broadcast_in_dim3A_136 : vector<16xf32> to vector<16xf32>
    tpu.vector_store %arg9[%swap3A_137], %swap3A_140 {strides = array<i32>} : memref<512xf32, #tpu.memory_space<vmem>>, vector<16xf32>,
    %broadcast_in_dim3A_141 = arith.constant 0.000000e+00 : f32
    %broadcast_in_dim3A_142 = vector.broadcast %broadcast_in_dim3A_141 : f32 to vector<16xf32>
    %swap3A_143 = arith.constant 368 : index
    %swap3A_144 = tpu.vector_load %arg9[%swap3A_143] {strides = array<i32>} : memref<512xf32, #tpu.memory_space<vmem>>, vector<16xf32>,
    %swap3A_145 = vector.shape_cast %swap3A_144 : vector<16xf32> to vector<16xf32>
    %swap3A_146 = vector.shape_cast %broadcast_in_dim3A_142 : vector<16xf32> to vector<16xf32>
    tpu.vector_store %arg9[%swap3A_143], %swap3A_146 {strides = array<i32>} : memref<512xf32, #tpu.memory_space<vmem>>, vector<16xf32>,
    %broadcast_in_dim3A_147 = arith.constant 0.000000e+00 : f32
    %broadcast_in_dim3A_148 = vector.broadcast %broadcast_in_dim3A_147 : f32 to vector<16xf32>
    %swap3A_149 = arith.constant 384 : index
    %swap3A_150 = tpu.vector_load %arg9[%swap3A_149] {strides = array<i32>} : memref<512xf32, #tpu.memory_space<vmem>>, vector<16xf32>,
    %swap3A_151 = vector.shape_cast %swap3A_150 : vector<16xf32> to vector<16xf32>
    %swap3A_152 = vector.shape_cast %broadcast_in_dim3A_148 : vector<16xf32> to vector<16xf32>
    tpu.vector_store %arg9[%swap3A_149], %swap3A_152 {strides = array<i32>} : memref<512xf32, #tpu.memory_space<vmem>>, vector<16xf32>,
    %broadcast_in_dim3A_153 = arith.constant 0.000000e+00 : f32
    %broadcast_in_dim3A_154 = vector.broadcast %broadcast_in_dim3A_153 : f32 to vector<16xf32>
    %swap3A_155 = arith.constant 400 : index
    %swap3A_156 = tpu.vector_load %arg9[%swap3A_155] {strides = array<i32>} : memref<512xf32, #tpu.memory_space<vmem>>, vector<16xf32>,
    %swap3A_157 = vector.shape_cast %swap3A_156 : vector<16xf32> to vector<16xf32>
    %swap3A_158 = vector.shape_cast %broadcast_in_dim3A_154 : vector<16xf32> to vector<16xf32>
    tpu.vector_store %arg9[%swap3A_155], %swap3A_158 {strides = array<i32>} : memref<512xf32, #tpu.memory_space<vmem>>, vector<16xf32>,
    %broadcast_in_dim3A_159 = arith.constant 0.000000e+00 : f32
    %broadcast_in_dim3A_160 = vector.broadcast %broadcast_in_dim3A_159 : f32 to vector<16xf32>
    %swap3A_161 = arith.constant 416 : index
    %swap3A_162 = tpu.vector_load %arg9[%swap3A_161] {strides = array<i32>} : memref<512xf32, #tpu.memory_space<vmem>>, vector<16xf32>,
    %swap3A_163 = vector.shape_cast %swap3A_162 : vector<16xf32> to vector<16xf32>
    %swap3A_164 = vector.shape_cast %broadcast_in_dim3A_160 : vector<16xf32> to vector<16xf32>
    tpu.vector_store %arg9[%swap3A_161], %swap3A_164 {strides = array<i32>} : memref<512xf32, #tpu.memory_space<vmem>>, vector<16xf32>,
    %broadcast_in_dim3A_165 = arith.constant 0.000000e+00 : f32
    %broadcast_in_dim3A_166 = vector.broadcast %broadcast_in_dim3A_165 : f32 to vector<16xf32>
    %swap3A_167 = arith.constant 432 : index
    %swap3A_168 = tpu.vector_load %arg9[%swap3A_167] {strides = array<i32>} : memref<512xf32, #tpu.memory_space<vmem>>, vector<16xf32>,
    %swap3A_169 = vector.shape_cast %swap3A_168 : vector<16xf32> to vector<16xf32>
    %swap3A_170 = vector.shape_cast %broadcast_in_dim3A_166 : vector<16xf32> to vector<16xf32>
    tpu.vector_store %arg9[%swap3A_167], %swap3A_170 {strides = array<i32>} : memref<512xf32, #tpu.memory_space<vmem>>, vector<16xf32>,
    %broadcast_in_dim3A_171 = arith.constant 0.000000e+00 : f32
    %broadcast_in_dim3A_172 = vector.broadcast %broadcast_in_dim3A_171 : f32 to vector<16xf32>
    %swap3A_173 = arith.constant 448 : index
    %swap3A_174 = tpu.vector_load %arg9[%swap3A_173] {strides = array<i32>} : memref<512xf32, #tpu.memory_space<vmem>>, vector<16xf32>,
    %swap3A_175 = vector.shape_cast %swap3A_174 : vector<16xf32> to vector<16xf32>
    %swap3A_176 = vector.shape_cast %broadcast_in_dim3A_172 : vector<16xf32> to vector<16xf32>
    tpu.vector_store %arg9[%swap3A_173], %swap3A_176 {strides = array<i32>} : memref<512xf32, #tpu.memory_space<vmem>>, vector<16xf32>,
    %broadcast_in_dim3A_177 = arith.constant 0.000000e+00 : f32
    %broadcast_in_dim3A_178 = vector.broadcast %broadcast_in_dim3A_177 : f32 to vector<16xf32>
    %swap3A_179 = arith.constant 464 : index
    %swap3A_180 = tpu.vector_load %arg9[%swap3A_179] {strides = array<i32>} : memref<512xf32, #tpu.memory_space<vmem>>, vector<16xf32>,
    %swap3A_181 = vector.shape_cast %swap3A_180 : vector<16xf32> to vector<16xf32>
    %swap3A_182 = vector.shape_cast %broadcast_in_dim3A_178 : vector<16xf32> to vector<16xf32>
    tpu.vector_store %arg9[%swap3A_179], %swap3A_182 {strides = array<i32>} : memref<512xf32, #tpu.memory_space<vmem>>, vector<16xf32>,
    %broadcast_in_dim3A_183 = arith.constant 0.000000e+00 : f32
    %broadcast_in_dim3A_184 = vector.broadcast %broadcast_in_dim3A_183 : f32 to vector<16xf32>
    %swap3A_185 = arith.constant 480 : index
    %swap3A_186 = tpu.vector_load %arg9[%swap3A_185] {strides = array<i32>} : memref<512xf32, #tpu.memory_space<vmem>>, vector<16xf32>,
    %swap3A_187 = vector.shape_cast %swap3A_186 : vector<16xf32> to vector<16xf32>
    %swap3A_188 = vector.shape_cast %broadcast_in_dim3A_184 : vector<16xf32> to vector<16xf32>
    tpu.vector_store %arg9[%swap3A_185], %swap3A_188 {strides = array<i32>} : memref<512xf32, #tpu.memory_space<vmem>>, vector<16xf32>,
    %broadcast_in_dim3A_189 = arith.constant 0.000000e+00 : f32
    %broadcast_in_dim3A_190 = vector.broadcast %broadcast_in_dim3A_189 : f32 to vector<16xf32>
    %swap3A_191 = arith.constant 496 : index
    %swap3A_192 = tpu.vector_load %arg9[%swap3A_191] {strides = array<i32>} : memref<512xf32, #tpu.memory_space<vmem>>, vector<16xf32>,
    %swap3A_193 = vector.shape_cast %swap3A_192 : vector<16xf32> to vector<16xf32>
    %swap3A_194 = vector.shape_cast %broadcast_in_dim3A_190 : vector<16xf32> to vector<16xf32>
    tpu.vector_store %arg9[%swap3A_191], %swap3A_194 {strides = array<i32>} : memref<512xf32, #tpu.memory_space<vmem>>, vector<16xf32>,
    %mul3A_195 = arith.constant 512 : i32
    %mul3A_196 = arith.muli %arg1, %mul3A_195 : i32
    "tpu.region"() ({
      %run_scoped3A = tpu.sem_alloc : memref<!tpu.dma_semaphore, #tpu.memory_space<semaphore_mem>>
      %dma_start3A_250 = tpu.memref_slice %arg10[%mul3A_196] : memref<8192xf32, #tpu.memory_space<vmem_shared>> -> memref<512xf32, #tpu.memory_space<vmem_shared>>
      %dma_start3A_251 = tpu.memref_slice %arg10[%mul3A_196] : memref<8192xf32, #tpu.memory_space<vmem_shared>> -> memref<512xf32, #tpu.memory_space<vmem_shared>>
      tpu.enqueue_dma source(%arg9 : memref<512xf32, #tpu.memory_space<vmem>>) target(%dma_start3A_251 : memref<512xf32, #tpu.memory_space<vmem_shared>>) target_semaphore(%run_scoped3A : memref<!tpu.dma_semaphore, #tpu.memory_space<semaphore_mem>>)
      %dma_wait3A_252 = tpu.memref_slice %arg10[%mul3A_196] : memref<8192xf32, #tpu.memory_space<vmem_shared>> -> memref<512xf32, #tpu.memory_space<vmem_shared>>
      %dma_wait3A_253 = tpu.memref_slice %arg10[%mul3A_196] : memref<8192xf32, #tpu.memory_space<vmem_shared>> -> memref<512xf32, #tpu.memory_space<vmem_shared>>
      tpu.wait_dma2 semaphore(%run_scoped3A : memref<!tpu.dma_semaphore, #tpu.memory_space<semaphore_mem>>) src(%arg9 : memref<512xf32, #tpu.memory_space<vmem>>) dst(%dma_wait3A_253 : memref<512xf32, #tpu.memory_space<vmem_shared>>)
      tpu.yield
    }) : () -> ()
    %broadcast_in_dim3A_197 = arith.constant 1.000000e+00 : f32
    %broadcast_in_dim3A_198 = vector.broadcast %broadcast_in_dim3A_197 : f32 to vector<16xf32>
    %swap3A_199 = arith.constant 0 : index
    %swap3A_200 = tpu.vector_load %arg8[%swap3A_199] {strides = array<i32>} : memref<128xf32, #tpu.memory_space<vmem>>, vector<16xf32>,
    %swap3A_201 = vector.shape_cast %swap3A_200 : vector<16xf32> to vector<16xf32>
    %swap3A_202 = vector.shape_cast %broadcast_in_dim3A_198 : vector<16xf32> to vector<16xf32>
    tpu.vector_store %arg8[%swap3A_199], %swap3A_202 {strides = array<i32>} : memref<128xf32, #tpu.memory_space<vmem>>, vector<16xf32>,
    %broadcast_in_dim3A_203 = arith.constant 1.000000e+00 : f32
    %broadcast_in_dim3A_204 = vector.broadcast %broadcast_in_dim3A_203 : f32 to vector<16xf32>
    %swap3A_205 = arith.constant 16 : index
    %swap3A_206 = tpu.vector_load %arg8[%swap3A_205] {strides = array<i32>} : memref<128xf32, #tpu.memory_space<vmem>>, vector<16xf32>,
    %swap3A_207 = vector.shape_cast %swap3A_206 : vector<16xf32> to vector<16xf32>
    %swap3A_208 = vector.shape_cast %broadcast_in_dim3A_204 : vector<16xf32> to vector<16xf32>
    tpu.vector_store %arg8[%swap3A_205], %swap3A_208 {strides = array<i32>} : memref<128xf32, #tpu.memory_space<vmem>>, vector<16xf32>,
    %broadcast_in_dim3A_209 = arith.constant 1.000000e+00 : f32
    %broadcast_in_dim3A_210 = vector.broadcast %broadcast_in_dim3A_209 : f32 to vector<16xf32>
    %swap3A_211 = arith.constant 32 : index
    %swap3A_212 = tpu.vector_load %arg8[%swap3A_211] {strides = array<i32>} : memref<128xf32, #tpu.memory_space<vmem>>, vector<16xf32>,
    %swap3A_213 = vector.shape_cast %swap3A_212 : vector<16xf32> to vector<16xf32>
    %swap3A_214 = vector.shape_cast %broadcast_in_dim3A_210 : vector<16xf32> to vector<16xf32>
    tpu.vector_store %arg8[%swap3A_211], %swap3A_214 {strides = array<i32>} : memref<128xf32, #tpu.memory_space<vmem>>, vector<16xf32>,
    %broadcast_in_dim3A_215 = arith.constant 1.000000e+00 : f32
    %broadcast_in_dim3A_216 = vector.broadcast %broadcast_in_dim3A_215 : f32 to vector<16xf32>
    %swap3A_217 = arith.constant 48 : index
    %swap3A_218 = tpu.vector_load %arg8[%swap3A_217] {strides = array<i32>} : memref<128xf32, #tpu.memory_space<vmem>>, vector<16xf32>,
    %swap3A_219 = vector.shape_cast %swap3A_218 : vector<16xf32> to vector<16xf32>
    %swap3A_220 = vector.shape_cast %broadcast_in_dim3A_216 : vector<16xf32> to vector<16xf32>
    tpu.vector_store %arg8[%swap3A_217], %swap3A_220 {strides = array<i32>} : memref<128xf32, #tpu.memory_space<vmem>>, vector<16xf32>,
    %broadcast_in_dim3A_221 = arith.constant 1.000000e+00 : f32
    %broadcast_in_dim3A_222 = vector.broadcast %broadcast_in_dim3A_221 : f32 to vector<16xf32>
    %swap3A_223 = arith.constant 64 : index
    %swap3A_224 = tpu.vector_load %arg8[%swap3A_223] {strides = array<i32>} : memref<128xf32, #tpu.memory_space<vmem>>, vector<16xf32>,
    %swap3A_225 = vector.shape_cast %swap3A_224 : vector<16xf32> to vector<16xf32>
    %swap3A_226 = vector.shape_cast %broadcast_in_dim3A_222 : vector<16xf32> to vector<16xf32>
    tpu.vector_store %arg8[%swap3A_223], %swap3A_226 {strides = array<i32>} : memref<128xf32, #tpu.memory_space<vmem>>, vector<16xf32>,
    %broadcast_in_dim3A_227 = arith.constant 1.000000e+00 : f32
    %broadcast_in_dim3A_228 = vector.broadcast %broadcast_in_dim3A_227 : f32 to vector<16xf32>
    %swap3A_229 = arith.constant 80 : index
    %swap3A_230 = tpu.vector_load %arg8[%swap3A_229] {strides = array<i32>} : memref<128xf32, #tpu.memory_space<vmem>>, vector<16xf32>,
    %swap3A_231 = vector.shape_cast %swap3A_230 : vector<16xf32> to vector<16xf32>
    %swap3A_232 = vector.shape_cast %broadcast_in_dim3A_228 : vector<16xf32> to vector<16xf32>
    tpu.vector_store %arg8[%swap3A_229], %swap3A_232 {strides = array<i32>} : memref<128xf32, #tpu.memory_space<vmem>>, vector<16xf32>,
    %broadcast_in_dim3A_233 = arith.constant 1.000000e+00 : f32
    %broadcast_in_dim3A_234 = vector.broadcast %broadcast_in_dim3A_233 : f32 to vector<16xf32>
    %swap3A_235 = arith.constant 96 : index
    %swap3A_236 = tpu.vector_load %arg8[%swap3A_235] {strides = array<i32>} : memref<128xf32, #tpu.memory_space<vmem>>, vector<16xf32>,
    %swap3A_237 = vector.shape_cast %swap3A_236 : vector<16xf32> to vector<16xf32>
    %swap3A_238 = vector.shape_cast %broadcast_in_dim3A_234 : vector<16xf32> to vector<16xf32>
    tpu.vector_store %arg8[%swap3A_235], %swap3A_238 {strides = array<i32>} : memref<128xf32, #tpu.memory_space<vmem>>, vector<16xf32>,
    %broadcast_in_dim3A_239 = arith.constant 1.000000e+00 : f32
    %broadcast_in_dim3A_240 = vector.broadcast %broadcast_in_dim3A_239 : f32 to vector<16xf32>
    %swap3A_241 = arith.constant 112 : index
    %swap3A_242 = tpu.vector_load %arg8[%swap3A_241] {strides = array<i32>} : memref<128xf32, #tpu.memory_space<vmem>>, vector<16xf32>,
    %swap3A_243 = vector.shape_cast %swap3A_242 : vector<16xf32> to vector<16xf32>
    %swap3A_244 = vector.shape_cast %broadcast_in_dim3A_240 : vector<16xf32> to vector<16xf32>
    tpu.vector_store %arg8[%swap3A_241], %swap3A_244 {strides = array<i32>} : memref<128xf32, #tpu.memory_space<vmem>>, vector<16xf32>,
    %barrier3A = arith.constant 0 : index
    tpu.barrier barrier_id(%barrier3A)
    "tpu.region"() ({
      %run_scoped3A = tpu.sem_alloc : memref<!tpu.dma_semaphore, #tpu.memory_space<semaphore_mem>>
      %dma_start3A_250 = arith.constant 0 : i32
      %dma_start3A_251 = tpu.memref_slice %arg10[%dma_start3A_250] : memref<8192xf32, #tpu.memory_space<vmem_shared>> -> memref<8192xf32, #tpu.memory_space<vmem_shared>>
      tpu.enqueue_indirect_dma source(%arg8 : memref<128xf32, #tpu.memory_space<vmem>>) target(%dma_start3A_251 : memref<8192xf32, #tpu.memory_space<vmem_shared>>) offsets(%arg6 : memref<128xi32, #tpu.memory_space<vmem>>) semaphore(%run_scoped3A : memref<!tpu.dma_semaphore, #tpu.memory_space<semaphore_mem>>) {add = true}
      %dma_wait3A_252 = arith.constant 0 : i32
      %dma_wait3A_253 = tpu.memref_slice %arg10[%dma_wait3A_252] : memref<8192xf32, #tpu.memory_space<vmem_shared>> -> memref<8192xf32, #tpu.memory_space<vmem_shared>>
      tpu.wait_indirect_dma semaphore(%run_scoped3A : memref<!tpu.dma_semaphore, #tpu.memory_space<semaphore_mem>>) src(%arg8 : memref<128xf32, #tpu.memory_space<vmem>>) dst(%dma_wait3A_253 : memref<8192xf32, #tpu.memory_space<vmem_shared>>)
      tpu.yield
    }) : () -> ()
    %barrier3A_245 = arith.constant 0 : index
    tpu.barrier barrier_id(%barrier3A_245)
    %eq3A = arith.constant 0 : i32
    %eq3A_246 = arith.cmpi eq, %arg1, %eq3A : i32
    %convert_element_type3A = arith.extui %eq3A_246 : i1 to i32
    %cond3A = arith.constant 0 : i32
    %cond3A_247 = arith.cmpi ne, %convert_element_type3A, %cond3A : i32
    scf.if %cond3A_247 {
      "tpu.region"() ({
        %run_scoped3A = tpu.sem_alloc : memref<!tpu.dma_semaphore, #tpu.memory_space<semaphore_mem>>
        %dma_start3A_250 = arith.constant 0 : i32
        %dma_start3A_251 = tpu.memref_slice %arg5[%arg0, %dma_start3A_250] : memref<2x8192xf32, #tpu.memory_space<hbm>> -> memref<1x8192xf32, #tpu.memory_space<hbm>>
        %dma_start3A_252 = tpu.memref_squeeze %dma_start3A_251 : memref<1x8192xf32, #tpu.memory_space<hbm>> -> memref<8192xf32, #tpu.memory_space<hbm>>
        tpu.enqueue_dma source(%arg10 : memref<8192xf32, #tpu.memory_space<vmem_shared>>) target(%dma_start3A_252 : memref<8192xf32, #tpu.memory_space<hbm>>) target_semaphore(%run_scoped3A : memref<!tpu.dma_semaphore, #tpu.memory_space<semaphore_mem>>)
        %dma_wait3A_253 = arith.constant 0 : i32
        %dma_wait3A_254 = tpu.memref_slice %arg5[%arg0, %dma_wait3A_253] : memref<2x8192xf32, #tpu.memory_space<hbm>> -> memref<1x8192xf32, #tpu.memory_space<hbm>>
        %dma_wait3A_255 = tpu.memref_squeeze %dma_wait3A_254 : memref<1x8192xf32, #tpu.memory_space<hbm>> -> memref<8192xf32, #tpu.memory_space<hbm>>
        tpu.wait_dma2 semaphore(%run_scoped3A : memref<!tpu.dma_semaphore, #tpu.memory_space<semaphore_mem>>) src(%arg10 : memref<8192xf32, #tpu.memory_space<vmem_shared>>) dst(%dma_wait3A_255 : memref<8192xf32, #tpu.memory_space<hbm>>)
        tpu.yield
      }) : () -> ()
    } else {
    }
    %dma_wait3A = arith.constant 0 : i32
    %dma_wait3A_248 = arith.constant 0 : i32
    %dma_wait3A_249 = tpu.memref_slice %arg3[%dma_wait3A, %dma_wait3A_248] : memref<8192x128xf32, #tpu.memory_space<hbm>> -> memref<8192x128xf32, #tpu.memory_space<hbm>>
    tpu.wait_indirect_dma semaphore(%arg11 : memref<!tpu.dma_semaphore, #tpu.memory_space<semaphore_mem>>) src(%dma_wait3A_249 : memref<8192x128xf32, #tpu.memory_space<hbm>>) dst(%arg7 : memref<128x128xf32, #tpu.memory_space<vmem>>)
    "tpu.region"() ({
      %run_scoped3A = tpu.sem_alloc : memref<!tpu.dma_semaphore, #tpu.memory_space<semaphore_mem>>
      %dma_start3A_250 = arith.constant 0 : i32
      %dma_start3A_251 = tpu.memref_slice %arg4[%mul3A_2, %dma_start3A_250] : memref<4096x128xf32, #tpu.memory_space<hbm>> -> memref<128x128xf32, #tpu.memory_space<hbm>>
      %dma_start3A_252 = arith.constant 0 : i32
      %dma_start3A_253 = tpu.memref_slice %arg4[%mul3A_2, %dma_start3A_252] : memref<4096x128xf32, #tpu.memory_space<hbm>> -> memref<128x128xf32, #tpu.memory_space<hbm>>
      tpu.enqueue_dma source(%arg7 : memref<128x128xf32, #tpu.memory_space<vmem>>) target(%dma_start3A_253 : memref<128x128xf32, #tpu.memory_space<hbm>>) target_semaphore(%run_scoped3A : memref<!tpu.dma_semaphore, #tpu.memory_space<semaphore_mem>>)
      %dma_wait3A_254 = arith.constant 0 : i32
      %dma_wait3A_255 = tpu.memref_slice %arg4[%mul3A_2, %dma_wait3A_254] : memref<4096x128xf32, #tpu.memory_space<hbm>> -> memref<128x128xf32, #tpu.memory_space<hbm>>
      %dma_wait3A_256 = arith.constant 0 : i32
      %dma_wait3A_257 = tpu.memref_slice %arg4[%mul3A_2, %dma_wait3A_256] : memref<4096x128xf32, #tpu.memory_space<hbm>> -> memref<128x128xf32, #tpu.memory_space<hbm>>
      tpu.wait_dma2 semaphore(%run_scoped3A : memref<!tpu.dma_semaphore, #tpu.memory_space<semaphore_mem>>) src(%arg7 : memref<128x128xf32, #tpu.memory_space<vmem>>) dst(%dma_wait3A_257 : memref<128x128xf32, #tpu.memory_space<hbm>>)
      tpu.yield
    }) : () -> ()
    return
  }
}

module attributes {stable_mosaic.version = 14 : i64} {
  func.func @_argmin_body(%arg0: i32, %arg1: memref<2048x64xf32, #tpu.memory_space<vmem>>, %arg2: memref<8192x64xf32, #tpu.memory_space<vmem>>, %arg3: memref<2048x1xf32, #tpu.memory_space<vmem>>, %arg4: memref<1x8192xf32, #tpu.memory_space<vmem>>, %arg5: memref<2048x1xi32, #tpu.memory_space<vmem>>, %arg6: memref<4096x128xf32, #tpu.memory_space<vmem>>) attributes {dimension_semantics = [#tpu.dimension_semantics<arbitrary>], iteration_bounds = array<i64: 2>, scalar_prefetch = 0 : i64, scratch_operands = 0 : i64, tpu.core_type = #tpu.core_type<tc>, window_params = [{transform_indices = @transform_0, window_bounds = array<i64: 2048, 64>}, {pipeline_mode = #tpu.pipeline_mode<synchronous>, transform_indices = @transform_1, window_bounds = array<i64: 8192, 64>}, {transform_indices = @transform_2, window_bounds = array<i64: 2048, 1>}, {pipeline_mode = #tpu.pipeline_mode<synchronous>, transform_indices = @transform_3, window_bounds = array<i64: 1, 8192>}, {transform_indices = @transform_4, window_bounds = array<i64: 2048, 1>}, {transform_indices = @transform_5, window_bounds = array<i64: 4096, 128>}]} {
    %get3A = arith.constant 0 : index
    %get3A_0 = arith.constant 0 : index
    %get3A_1 = vector.load %arg1[%get3A, %get3A_0] : memref<2048x64xf32, #tpu.memory_space<vmem>>, vector<2048x64xf32>
    %mul3A = arith.constant -2.000000e+00 : f32
    %mul3A_2 = vector.broadcast %mul3A : f32 to vector<2048x64xf32>
    %mul3A_3 = arith.mulf %get3A_1, %mul3A_2 : vector<2048x64xf32>
    %get3A_4 = arith.constant 0 : index
    %get3A_5 = arith.constant 0 : index
    %get3A_6 = vector.load %arg3[%get3A_4, %get3A_5] : memref<2048x1xf32, #tpu.memory_space<vmem>>, vector<2048x1xf32>
    %iota3A = tpu.iota {dimensions = array<i32: 1>} : vector<2048x2048xi32>
    %convert_element_type3A = arith.sitofp %iota3A : vector<2048x2048xi32> to vector<2048x2048xf32>
    %broadcast_in_dim3A = arith.constant 0x7F800000 : f32
    %broadcast_in_dim3A_7 = vector.broadcast %broadcast_in_dim3A : f32 to vector<2048x1xf32>
    %broadcast_in_dim3A_8 = arith.constant 0.000000e+00 : f32
    %broadcast_in_dim3A_9 = vector.broadcast %broadcast_in_dim3A_8 : f32 to vector<2048x1xf32>
    %get3A_10 = arith.constant 0 : index
    %get3A_11 = arith.constant 0 : index
    %get3A_12 = vector.load %arg2[%get3A_10, %get3A_11] : memref<8192x64xf32, #tpu.memory_space<vmem>>, vector<2048x64xf32>
    %get3A_13 = arith.constant 0 : index
    %get3A_14 = arith.constant 0 : index
    %get3A_15 = vector.load %arg4[%get3A_13, %get3A_14] : memref<1x8192xf32, #tpu.memory_space<vmem>>, vector<1x2048xf32>
    %dot_general3A = arith.constant dense<0.000000e+00> : vector<2048x2048xf32>
    %dot_general3A_16 = tpu.matmul %mul3A_3, %get3A_12, %dot_general3A {dimension_numbers = #tpu.dot_dimension_numbers<[1], [1], [0], [0], [0, 0, 1, 0], [], []>, transpose_lhs_hint = false} : vector<2048x64xf32>, vector<2048x64xf32>, vector<2048x2048xf32> -> vector<2048x2048xf32>
    %add3A = vector.broadcast %get3A_6 : vector<2048x1xf32> to vector<2048x2048xf32>
    %add3A_17 = vector.broadcast %get3A_15 : vector<1x2048xf32> to vector<2048x2048xf32>
    %add3A_18 = arith.addf %add3A, %add3A_17 : vector<2048x2048xf32>
    %add3A_19 = arith.addf %add3A_18, %dot_general3A_16 : vector<2048x2048xf32>
    %rsqrt3A = math.rsqrt %add3A_19 : vector<2048x2048xf32>
    %mul3A_20 = arith.mulf %add3A_19, %rsqrt3A : vector<2048x2048xf32>
    %reduce_min3A = arith.constant dense<0x7F800000> : vector<2048xf32>
    %reduce_min3A_21 = vector.multi_reduction <minimumf>, %mul3A_20, %reduce_min3A [1] : vector<2048x2048xf32> to vector<2048xf32>
    %broadcast_in_dim3A_22 = vector.shape_cast %reduce_min3A_21 : vector<2048xf32> to vector<2048x1xf32>
    %eq3A = vector.broadcast %broadcast_in_dim3A_22 : vector<2048x1xf32> to vector<2048x2048xf32>
    %eq3A_23 = arith.cmpf oeq, %mul3A_20, %eq3A : vector<2048x2048xf32>
    %jit3A = arith.constant 6.553600e+04 : f32
    %broadcast_in_dim3A_24 = vector.broadcast %jit3A : f32 to vector<2048x2048xf32>
    %select_n3A = arith.select %eq3A_23, %convert_element_type3A, %broadcast_in_dim3A_24 : vector<2048x2048xi1>, vector<2048x2048xf32>
    %reduce_min3A_25 = arith.constant dense<0x7F800000> : vector<2048xf32>
    %reduce_min3A_26 = vector.multi_reduction <minimumf>, %select_n3A, %reduce_min3A_25 [1] : vector<2048x2048xf32> to vector<2048xf32>
    %broadcast_in_dim3A_27 = vector.shape_cast %reduce_min3A_26 : vector<2048xf32> to vector<2048x1xf32>
    %lt3A = arith.cmpf olt, %broadcast_in_dim3A_22, %broadcast_in_dim3A_7 : vector<2048x1xf32>
    %add3A_28 = arith.constant 0.000000e+00 : f32
    %add3A_29 = vector.broadcast %add3A_28 : f32 to vector<2048x1xf32>
    %add3A_30 = arith.addf %broadcast_in_dim3A_27, %add3A_29 : vector<2048x1xf32>
    %select_n3A_31 = arith.select %lt3A, %add3A_30, %broadcast_in_dim3A_9 : vector<2048x1xi1>, vector<2048x1xf32>
    %select_n3A_32 = arith.select %lt3A, %broadcast_in_dim3A_22, %broadcast_in_dim3A_7 : vector<2048x1xi1>, vector<2048x1xf32>
    %get3A_33 = arith.constant 2048 : index
    %get3A_34 = arith.constant 0 : index
    %get3A_35 = vector.load %arg2[%get3A_33, %get3A_34] : memref<8192x64xf32, #tpu.memory_space<vmem>>, vector<2048x64xf32>
    %get3A_36 = arith.constant 0 : index
    %get3A_37 = arith.constant 2048 : index
    %get3A_38 = vector.load %arg4[%get3A_36, %get3A_37] : memref<1x8192xf32, #tpu.memory_space<vmem>>, vector<1x2048xf32>
    %dot_general3A_39 = arith.constant dense<0.000000e+00> : vector<2048x2048xf32>
    %dot_general3A_40 = tpu.matmul %mul3A_3, %get3A_35, %dot_general3A_39 {dimension_numbers = #tpu.dot_dimension_numbers<[1], [1], [0], [0], [0, 0, 1, 0], [], []>, transpose_lhs_hint = false} : vector<2048x64xf32>, vector<2048x64xf32>, vector<2048x2048xf32> -> vector<2048x2048xf32>
    %add3A_41 = vector.broadcast %get3A_6 : vector<2048x1xf32> to vector<2048x2048xf32>
    %add3A_42 = vector.broadcast %get3A_38 : vector<1x2048xf32> to vector<2048x2048xf32>
    %add3A_43 = arith.addf %add3A_41, %add3A_42 : vector<2048x2048xf32>
    %add3A_44 = arith.addf %add3A_43, %dot_general3A_40 : vector<2048x2048xf32>
    %rsqrt3A_45 = math.rsqrt %add3A_44 : vector<2048x2048xf32>
    %mul3A_46 = arith.mulf %add3A_44, %rsqrt3A_45 : vector<2048x2048xf32>
    %reduce_min3A_47 = arith.constant dense<0x7F800000> : vector<2048xf32>
    %reduce_min3A_48 = vector.multi_reduction <minimumf>, %mul3A_46, %reduce_min3A_47 [1] : vector<2048x2048xf32> to vector<2048xf32>
    %broadcast_in_dim3A_49 = vector.shape_cast %reduce_min3A_48 : vector<2048xf32> to vector<2048x1xf32>
    %eq3A_50 = vector.broadcast %broadcast_in_dim3A_49 : vector<2048x1xf32> to vector<2048x2048xf32>
    %eq3A_51 = arith.cmpf oeq, %mul3A_46, %eq3A_50 : vector<2048x2048xf32>
    %jit3A_52 = arith.constant 6.553600e+04 : f32
    %broadcast_in_dim3A_53 = vector.broadcast %jit3A_52 : f32 to vector<2048x2048xf32>
    %select_n3A_54 = arith.select %eq3A_51, %convert_element_type3A, %broadcast_in_dim3A_53 : vector<2048x2048xi1>, vector<2048x2048xf32>
    %reduce_min3A_55 = arith.constant dense<0x7F800000> : vector<2048xf32>
    %reduce_min3A_56 = vector.multi_reduction <minimumf>, %select_n3A_54, %reduce_min3A_55 [1] : vector<2048x2048xf32> to vector<2048xf32>
    %broadcast_in_dim3A_57 = vector.shape_cast %reduce_min3A_56 : vector<2048xf32> to vector<2048x1xf32>
    %lt3A_58 = arith.cmpf olt, %broadcast_in_dim3A_49, %select_n3A_32 : vector<2048x1xf32>
    %add3A_59 = arith.constant 2.048000e+03 : f32
    %add3A_60 = vector.broadcast %add3A_59 : f32 to vector<2048x1xf32>
    %add3A_61 = arith.addf %broadcast_in_dim3A_57, %add3A_60 : vector<2048x1xf32>
    %select_n3A_62 = arith.select %lt3A_58, %add3A_61, %select_n3A_31 : vector<2048x1xi1>, vector<2048x1xf32>
    %select_n3A_63 = arith.select %lt3A_58, %broadcast_in_dim3A_49, %select_n3A_32 : vector<2048x1xi1>, vector<2048x1xf32>
    %get3A_64 = arith.constant 4096 : index
    %get3A_65 = arith.constant 0 : index
    %get3A_66 = vector.load %arg2[%get3A_64, %get3A_65] : memref<8192x64xf32, #tpu.memory_space<vmem>>, vector<2048x64xf32>
    %get3A_67 = arith.constant 0 : index
    %get3A_68 = arith.constant 4096 : index
    %get3A_69 = vector.load %arg4[%get3A_67, %get3A_68] : memref<1x8192xf32, #tpu.memory_space<vmem>>, vector<1x2048xf32>
    %dot_general3A_70 = arith.constant dense<0.000000e+00> : vector<2048x2048xf32>
    %dot_general3A_71 = tpu.matmul %mul3A_3, %get3A_66, %dot_general3A_70 {dimension_numbers = #tpu.dot_dimension_numbers<[1], [1], [0], [0], [0, 0, 1, 0], [], []>, transpose_lhs_hint = false} : vector<2048x64xf32>, vector<2048x64xf32>, vector<2048x2048xf32> -> vector<2048x2048xf32>
    %add3A_72 = vector.broadcast %get3A_6 : vector<2048x1xf32> to vector<2048x2048xf32>
    %add3A_73 = vector.broadcast %get3A_69 : vector<1x2048xf32> to vector<2048x2048xf32>
    %add3A_74 = arith.addf %add3A_72, %add3A_73 : vector<2048x2048xf32>
    %add3A_75 = arith.addf %add3A_74, %dot_general3A_71 : vector<2048x2048xf32>
    %rsqrt3A_76 = math.rsqrt %add3A_75 : vector<2048x2048xf32>
    %mul3A_77 = arith.mulf %add3A_75, %rsqrt3A_76 : vector<2048x2048xf32>
    %reduce_min3A_78 = arith.constant dense<0x7F800000> : vector<2048xf32>
    %reduce_min3A_79 = vector.multi_reduction <minimumf>, %mul3A_77, %reduce_min3A_78 [1] : vector<2048x2048xf32> to vector<2048xf32>
    %broadcast_in_dim3A_80 = vector.shape_cast %reduce_min3A_79 : vector<2048xf32> to vector<2048x1xf32>
    %eq3A_81 = vector.broadcast %broadcast_in_dim3A_80 : vector<2048x1xf32> to vector<2048x2048xf32>
    %eq3A_82 = arith.cmpf oeq, %mul3A_77, %eq3A_81 : vector<2048x2048xf32>
    %jit3A_83 = arith.constant 6.553600e+04 : f32
    %broadcast_in_dim3A_84 = vector.broadcast %jit3A_83 : f32 to vector<2048x2048xf32>
    %select_n3A_85 = arith.select %eq3A_82, %convert_element_type3A, %broadcast_in_dim3A_84 : vector<2048x2048xi1>, vector<2048x2048xf32>
    %reduce_min3A_86 = arith.constant dense<0x7F800000> : vector<2048xf32>
    %reduce_min3A_87 = vector.multi_reduction <minimumf>, %select_n3A_85, %reduce_min3A_86 [1] : vector<2048x2048xf32> to vector<2048xf32>
    %broadcast_in_dim3A_88 = vector.shape_cast %reduce_min3A_87 : vector<2048xf32> to vector<2048x1xf32>
    %lt3A_89 = arith.cmpf olt, %broadcast_in_dim3A_80, %select_n3A_63 : vector<2048x1xf32>
    %add3A_90 = arith.constant 4.096000e+03 : f32
    %add3A_91 = vector.broadcast %add3A_90 : f32 to vector<2048x1xf32>
    %add3A_92 = arith.addf %broadcast_in_dim3A_88, %add3A_91 : vector<2048x1xf32>
    %select_n3A_93 = arith.select %lt3A_89, %add3A_92, %select_n3A_62 : vector<2048x1xi1>, vector<2048x1xf32>
    %select_n3A_94 = arith.select %lt3A_89, %broadcast_in_dim3A_80, %select_n3A_63 : vector<2048x1xi1>, vector<2048x1xf32>
    %get3A_95 = arith.constant 6144 : index
    %get3A_96 = arith.constant 0 : index
    %get3A_97 = vector.load %arg2[%get3A_95, %get3A_96] : memref<8192x64xf32, #tpu.memory_space<vmem>>, vector<2048x64xf32>
    %get3A_98 = arith.constant 0 : index
    %get3A_99 = arith.constant 6144 : index
    %get3A_100 = vector.load %arg4[%get3A_98, %get3A_99] : memref<1x8192xf32, #tpu.memory_space<vmem>>, vector<1x2048xf32>
    %dot_general3A_101 = arith.constant dense<0.000000e+00> : vector<2048x2048xf32>
    %dot_general3A_102 = tpu.matmul %mul3A_3, %get3A_97, %dot_general3A_101 {dimension_numbers = #tpu.dot_dimension_numbers<[1], [1], [0], [0], [0, 0, 1, 0], [], []>, transpose_lhs_hint = false} : vector<2048x64xf32>, vector<2048x64xf32>, vector<2048x2048xf32> -> vector<2048x2048xf32>
    %add3A_103 = vector.broadcast %get3A_6 : vector<2048x1xf32> to vector<2048x2048xf32>
    %add3A_104 = vector.broadcast %get3A_100 : vector<1x2048xf32> to vector<2048x2048xf32>
    %add3A_105 = arith.addf %add3A_103, %add3A_104 : vector<2048x2048xf32>
    %add3A_106 = arith.addf %add3A_105, %dot_general3A_102 : vector<2048x2048xf32>
    %rsqrt3A_107 = math.rsqrt %add3A_106 : vector<2048x2048xf32>
    %mul3A_108 = arith.mulf %add3A_106, %rsqrt3A_107 : vector<2048x2048xf32>
    %reduce_min3A_109 = arith.constant dense<0x7F800000> : vector<2048xf32>
    %reduce_min3A_110 = vector.multi_reduction <minimumf>, %mul3A_108, %reduce_min3A_109 [1] : vector<2048x2048xf32> to vector<2048xf32>
    %broadcast_in_dim3A_111 = vector.shape_cast %reduce_min3A_110 : vector<2048xf32> to vector<2048x1xf32>
    %eq3A_112 = vector.broadcast %broadcast_in_dim3A_111 : vector<2048x1xf32> to vector<2048x2048xf32>
    %eq3A_113 = arith.cmpf oeq, %mul3A_108, %eq3A_112 : vector<2048x2048xf32>
    %jit3A_114 = arith.constant 6.553600e+04 : f32
    %broadcast_in_dim3A_115 = vector.broadcast %jit3A_114 : f32 to vector<2048x2048xf32>
    %select_n3A_116 = arith.select %eq3A_113, %convert_element_type3A, %broadcast_in_dim3A_115 : vector<2048x2048xi1>, vector<2048x2048xf32>
    %reduce_min3A_117 = arith.constant dense<0x7F800000> : vector<2048xf32>
    %reduce_min3A_118 = vector.multi_reduction <minimumf>, %select_n3A_116, %reduce_min3A_117 [1] : vector<2048x2048xf32> to vector<2048xf32>
    %broadcast_in_dim3A_119 = vector.shape_cast %reduce_min3A_118 : vector<2048xf32> to vector<2048x1xf32>
    %lt3A_120 = arith.cmpf olt, %broadcast_in_dim3A_111, %select_n3A_94 : vector<2048x1xf32>
    %add3A_121 = arith.constant 6.144000e+03 : f32
    %add3A_122 = vector.broadcast %add3A_121 : f32 to vector<2048x1xf32>
    %add3A_123 = arith.addf %broadcast_in_dim3A_119, %add3A_122 : vector<2048x1xf32>
    %select_n3A_124 = arith.select %lt3A_120, %add3A_123, %select_n3A_93 : vector<2048x1xi1>, vector<2048x1xf32>
    %convert_element_type3A_125 = arith.fptosi %select_n3A_124 : vector<2048x1xf32> to vector<2048x1xi32>
    %swap3A = arith.constant 0 : index
    %swap3A_126 = arith.constant 0 : index
    %swap3A_127 = vector.load %arg5[%swap3A, %swap3A_126] : memref<2048x1xi32, #tpu.memory_space<vmem>>, vector<2048x1xi32>
    tpu.vector_store %arg5[%swap3A, %swap3A_126], %convert_element_type3A_125 {strides = array<i32>} : memref<2048x1xi32, #tpu.memory_space<vmem>>, vector<2048x1xi32>,
    %mul3A_128 = arith.constant 4096 : i32
    %mul3A_129 = arith.muli %arg0, %mul3A_128 : i32
    %get3A_130 = arith.index_cast %mul3A_129 : i32 to index
    %get3A_131 = arith.constant 0 : index
    %get3A_132 = vector.load %arg2[%get3A_130, %get3A_131] : memref<8192x64xf32, #tpu.memory_space<vmem>>, vector<4096x64xf32>
    %swap3A_133 = arith.constant 0 : index
    %swap3A_134 = arith.constant 0 : index
    %swap3A_135 = vector.load %arg6[%swap3A_133, %swap3A_134] : memref<4096x128xf32, #tpu.memory_space<vmem>>, vector<4096x64xf32>
    tpu.vector_store %arg6[%swap3A_133, %swap3A_134], %get3A_132 {strides = array<i32>} : memref<4096x128xf32, #tpu.memory_space<vmem>>, vector<4096x64xf32>,
    return
  }
  func.func @transform_0(%arg0: i32) -> (i32, i32) {
    %c0_i32 = arith.constant 0 : i32
    %c0_i32_0 = arith.constant 0 : i32
    return %arg0, %c0_i32 : i32, i32
  }
  func.func @transform_1(%arg0: i32) -> (i32, i32) {
    %c0_i32 = arith.constant 0 : i32
    %c0_i32_0 = arith.constant 0 : i32
    %c0_i32_1 = arith.constant 0 : i32
    return %c0_i32, %c0_i32_0 : i32, i32
  }
  func.func @transform_2(%arg0: i32) -> (i32, i32) {
    %c0_i32 = arith.constant 0 : i32
    %c0_i32_0 = arith.constant 0 : i32
    return %arg0, %c0_i32 : i32, i32
  }
  func.func @transform_3(%arg0: i32) -> (i32, i32) {
    %c0_i32 = arith.constant 0 : i32
    %c0_i32_0 = arith.constant 0 : i32
    %c0_i32_1 = arith.constant 0 : i32
    return %c0_i32, %c0_i32_0 : i32, i32
  }
  func.func @transform_4(%arg0: i32) -> (i32, i32) {
    %c0_i32 = arith.constant 0 : i32
    %c0_i32_0 = arith.constant 0 : i32
    return %arg0, %c0_i32 : i32, i32
  }
  func.func @transform_5(%arg0: i32) -> (i32, i32) {
    %c0_i32 = arith.constant 0 : i32
    %c0_i32_0 = arith.constant 0 : i32
    return %arg0, %c0_i32 : i32, i32
  }
}

module attributes {stable_mosaic.version = 14 : i64} {
  func.func @_loss_body(%arg0: memref<4096x128xf32, #tpu.memory_space<vmem>>, %arg1: memref<4096x64xf32, #tpu.memory_space<vmem>>, %arg2: memref<2x8192xf32, #tpu.memory_space<vmem>>, %arg3: memref<4096x32xf32, #tpu.memory_space<vmem>>, %arg4: memref<4096x32xf32, #tpu.memory_space<vmem>>, %arg5: memref<1x1xf32, #tpu.memory_space<vmem>>, %arg6: memref<1x1xf32, #tpu.memory_space<vmem>>) attributes {dimension_semantics = [], scalar_prefetch = 0 : i64, scratch_operands = 0 : i64, tpu.core_type = #tpu.core_type<tc>} {
    %get3A = arith.constant 0 : index
    %get3A_0 = arith.constant 0 : index
    %get3A_1 = vector.load %arg0[%get3A, %get3A_0] : memref<4096x128xf32, #tpu.memory_space<vmem>>, vector<4096x64xf32>
    %get3A_2 = arith.constant 0 : index
    %get3A_3 = arith.constant 0 : index
    %get3A_4 = vector.load %arg1[%get3A_2, %get3A_3] : memref<4096x64xf32, #tpu.memory_space<vmem>>, vector<4096x64xf32>
    %sub3A = arith.subf %get3A_1, %get3A_4 : vector<4096x64xf32>
    %mul3A = arith.mulf %sub3A, %sub3A : vector<4096x64xf32>
    %reduce_sum3A = vector.shape_cast %mul3A : vector<4096x64xf32> to vector<1x4096x64xf32>
    %reduce_sum3A_5 = arith.constant dense<0.000000e+00> : vector<1xf32>
    %reduce_sum3A_6 = vector.multi_reduction <add>, %reduce_sum3A, %reduce_sum3A_5 [1, 2] : vector<1x4096x64xf32> to vector<1xf32>
    %reduce_sum3A_7 = vector.shape_cast %reduce_sum3A_6 : vector<1xf32> to vector<1x1x1xf32>
    %reduce_sum3A_8 = vector.extract %reduce_sum3A_7[0, 0, 0] : f32 from vector<1x1x1xf32>
    %broadcast_in_dim3A = vector.broadcast %reduce_sum3A_8 : f32 to vector<1x1xf32>
    %mul3A_9 = arith.constant 3.81469727E-6 : f32
    %mul3A_10 = vector.broadcast %mul3A_9 : f32 to vector<1x1xf32>
    %mul3A_11 = arith.mulf %broadcast_in_dim3A, %mul3A_10 : vector<1x1xf32>
    %mul3A_12 = arith.constant 2.500000e-01 : f32
    %mul3A_13 = vector.broadcast %mul3A_12 : f32 to vector<1x1xf32>
    %mul3A_14 = arith.mulf %mul3A_13, %mul3A_11 : vector<1x1xf32>
    %add3A = arith.addf %mul3A_11, %mul3A_14 : vector<1x1xf32>
    %swap3A = arith.constant 0 : index
    %swap3A_15 = arith.constant 0 : index
    %swap3A_16 = vector.load %arg5[%swap3A, %swap3A_15] : memref<1x1xf32, #tpu.memory_space<vmem>>, vector<1x1xf32>
    tpu.vector_store %arg5[%swap3A, %swap3A_15], %add3A {strides = array<i32>} : memref<1x1xf32, #tpu.memory_space<vmem>>, vector<1x1xf32>,
    %sub3A_17 = arith.subf %get3A_1, %get3A_4 : vector<4096x64xf32>
    %add3A_18 = arith.addf %get3A_4, %sub3A_17 : vector<4096x64xf32>
    %slice3A = vector.extract_strided_slice %add3A_18 {offsets = [0, 0], sizes = [4096, 32], strides = [1, 1]} : vector<4096x64xf32> to vector<4096x32xf32>
    %swap3A_19 = arith.constant 0 : index
    %swap3A_20 = arith.constant 0 : index
    %swap3A_21 = vector.load %arg3[%swap3A_19, %swap3A_20] : memref<4096x32xf32, #tpu.memory_space<vmem>>, vector<4096x32xf32>
    tpu.vector_store %arg3[%swap3A_19, %swap3A_20], %slice3A {strides = array<i32>} : memref<4096x32xf32, #tpu.memory_space<vmem>>, vector<4096x32xf32>,
    %slice3A_22 = vector.extract_strided_slice %add3A_18 {offsets = [0, 32], sizes = [4096, 32], strides = [1, 1]} : vector<4096x64xf32> to vector<4096x32xf32>
    %swap3A_23 = arith.constant 0 : index
    %swap3A_24 = arith.constant 0 : index
    %swap3A_25 = vector.load %arg4[%swap3A_23, %swap3A_24] : memref<4096x32xf32, #tpu.memory_space<vmem>>, vector<4096x32xf32>
    tpu.vector_store %arg4[%swap3A_23, %swap3A_24], %slice3A_22 {strides = array<i32>} : memref<4096x32xf32, #tpu.memory_space<vmem>>, vector<4096x32xf32>,
    %get3A_26 = arith.constant 0 : index
    %get3A_27 = arith.constant 0 : index
    %get3A_28 = vector.load %arg2[%get3A_26, %get3A_27] : memref<2x8192xf32, #tpu.memory_space<vmem>>, vector<2x8192xf32>
    %reduce_sum3A_29 = arith.constant dense<0.000000e+00> : vector<8192xf32>
    %reduce_sum3A_30 = vector.multi_reduction <add>, %get3A_28, %reduce_sum3A_29 [0] : vector<2x8192xf32> to vector<8192xf32>
    %broadcast_in_dim3A_31 = vector.shape_cast %reduce_sum3A_30 : vector<8192xf32> to vector<1x8192xf32>
    %mul3A_32 = arith.constant 2.44140625E-4 : f32
    %mul3A_33 = vector.broadcast %mul3A_32 : f32 to vector<1x8192xf32>
    %mul3A_34 = arith.mulf %broadcast_in_dim3A_31, %mul3A_33 : vector<1x8192xf32>
    %add3A_35 = arith.constant 1.000000e-10 : f32
    %add3A_36 = vector.broadcast %add3A_35 : f32 to vector<1x8192xf32>
    %add3A_37 = arith.addf %mul3A_34, %add3A_36 : vector<1x8192xf32>
    %log3A = math.log %add3A_37 : vector<1x8192xf32>
    %mul3A_38 = arith.mulf %mul3A_34, %log3A : vector<1x8192xf32>
    %reduce_sum3A_39 = arith.constant dense<0.000000e+00> : vector<1xf32>
    %reduce_sum3A_40 = vector.multi_reduction <add>, %mul3A_38, %reduce_sum3A_39 [1] : vector<1x8192xf32> to vector<1xf32>
    %broadcast_in_dim3A_41 = vector.shape_cast %reduce_sum3A_40 : vector<1xf32> to vector<1x1xf32>
    %neg3A = arith.constant 0.000000e+00 : f32
    %neg3A_42 = vector.broadcast %neg3A : f32 to vector<1x1xf32>
    %neg3A_43 = arith.subf %neg3A_42, %broadcast_in_dim3A_41 : vector<1x1xf32>
    %exp3A = math.exp %neg3A_43 : vector<1x1xf32>
    %swap3A_44 = arith.constant 0 : index
    %swap3A_45 = arith.constant 0 : index
    %swap3A_46 = vector.load %arg6[%swap3A_44, %swap3A_45] : memref<1x1xf32, #tpu.memory_space<vmem>>, vector<1x1xf32>
    tpu.vector_store %arg6[%swap3A_44, %swap3A_45], %exp3A {strides = array<i32>} : memref<1x1xf32, #tpu.memory_space<vmem>>, vector<1x1xf32>,
    return
  }
}

</mosaic_0001>

<sc_bundles>
// kernel: kernel.5.cloned.1.call-start
scs
__scs_entry_jumppad:
0x0: {  	(pc) =	sbr.rel $0x88, $3  }
0x1: {  	(tag) =	ssettag $0x0;
	lr =	simm.s32 $0x1  }
0x2: {  	[smem:$0x3F9E] =	sst lr;
	_ =	strace $0xD0000000  }
0x3: {  	_ = 	snop  }
0x4: {  	_ = 	snop  }
0x5: {  	_ = 	snop  }
0x6: {  	_ = 	snop  }
0x7: {  	_ = 	snop  }
__scs_overlays_trampoline_lowered:
0x8: {  	[smem:$0x3FAD] =	sst s0  }
0x9: {  	[smem:$0x3FAE] =	sst s1  }
0xa: {  	[smem:$0x3FAF] =	sst s2  }
0xb: {  	[smem:$0x3FB0] =	sst s3  }
0xc: {  	[smem:$0x3FB1] =	sst s4  }
0xd: {  	[smem:$0x3FB2] =	sst s5  }
0xe: {  	[smem:$0x3FB3] =	sst s6  }
0xf: {  	[smem:$0x3FB4] =	sst s7  }
0x10: {  	[smem:$0x3FB5] =	sst s8  }
0x11: {  	[smem:$0x3FB6] =	sst s9;
	s0 =	simm.s32 @!p0 $0x0  }
0x12: {  	s1 =	sld [smem:$0x3F9C];
	s0 =	simm.s32 @p0 $0x1  }
0x13: {  	[smem:$0x3FB7] =	sst s0;
	s0 =	simm.s32 @!p1 $0x0  }
0x14: {  	s2 =	sld [smem:$0x3F9B];
	s0 =	simm.s32 @p1 $0x1  }
0x15: {  	[smem:$0x3FB8] =	sst s0;
	s0 =	simm.s32 @!p2 $0x0  }
0x16: {  	s3 =	sld [smem:$0x3FDB];
	s0 =	simm.s32 @p2 $0x1  }
0x17: {  	s4 =	simm.s32 $0x1BF5;
	[smem:$0x3FBA] =	sst s0  }
0x18: {  	s0 =	sld [smem:$0x3F9D];
	_ =	swait.ge [sflag:s4], $0x0  }
0x19: {  	s7 =	sld [smem:$0x3F9E]  }
0x1a: {  	s8 =	sadd.s32 $0xFFFFE003, lr  }
0x1b: {  	s9 =	sadd.s32 $0xFFFFFEF7, lr;
	s5 =	simm.s32 $0xFFFFFFFF;
	p2 =	slt.u32 s8, $0xFFFFF086  }
0x1c: {  	p1 =	slt.u32 s9, $0xF7A;
	s5 =	simm.s32 @!p2 $0x0  }
0x1d: {  	s5 =	simm.s32 @p1 $0x1;
	p0 =	seq.s32 s7, s2  }
0x1e: {  	s7 =	smul.u32 @!p0 $0xF7A, s2;
	p2 =	seq.s32 @!p0 s5, $0x0  }
0x1f: {  	s9 =	smul.u32 $0xF7A, s1;
	s8 =	simm.s32 @!p0 $0x1BF5;
	p2 =	por !p2, p0  }
0x20: {  	[sflag:s8] =	ssyncset.s32 @!p0 $0xFFFFF086;
	s6 =	sadd.s32 @!p0 s3, s7;
	s7 =	simm.s32 @!p0 $0x108  }
0x21: {  	s3 =	sadd.s32 s3, s9;
	s6 =	sadd.s32 @!p0 $0x88, s6;
	s7 =	simm.s32 @p2 $0x1082  }
0x22: {  	[simem:s7], [sflag:s8] =	dma.local @!p0 [hbm:s6], $0xF7A  }
0x23: {  	s9 =	sor.u32 $0xD0000000, s2;
	s6 =	simm.s32 $0x108;
	_ =	swait.ge @!p0 [sflag:s8], $0x0  }
0x24: {  	s3 =	sadd.s32 $0x88, s3;
	s6 =	simm.s32 @!p1 $0x1082;
	[sflag:s4] =	ssyncset.s32 $0xFFFFF086  }
0x25: {  	[simem:s6], [sflag:s4] =	dma.local [hbm:s3], $0xF7A  }
0x26: {  	[smem:$0x3F9E] =	sst s1;
	(tag) =	ssettag s2;
	_ =	strace s9  }
0x27: {  	s1 =	sld [smem:$0x3FAE]  }
0x28: {  	s2 =	sld [smem:$0x3FAF]  }
0x29: {  	s4 =	sld [smem:$0x3FB1]  }
0x2a: {  	p0 =	seq.s32 s5, $0x0;
	s5 =	sld [smem:$0x3FB2]  }
0x2b: {  	s6 =	sld [smem:$0x3FB3]  }
0x2c: {  	s7 =	sld [smem:$0x3FB4]  }
0x2d: {  	s3 =	simm.s32 $0x108;
	s8 =	sld [smem:$0x3FB5]  }
0x2e: {  	s3 =	simm.s32 @!p0 $0x1082;
	s9 =	sld [smem:$0x3FB6]  }
0x2f: {  	lr =	sadd.s32 s0, s3;
	s0 =	sld [smem:$0x3FAD]  }
0x30: {  	s3 =	sld [smem:$0x3FB0]  }
0x31: {  	[smem:$0x3FB9] =	sst s10  }
0x32: {  	s10 =	sld [smem:$0x3FB7];
	_ =	sdelay $0x3  }
0x33: {  	p0 =	seq.s32 s10, $0x1;
	s10 =	sld [smem:$0x3FB9];
	_ =	sdelay $0x3  }
0x34: {  	[smem:$0x3FB9] =	sst s10  }
0x35: {  	s10 =	sld [smem:$0x3FB8];
	_ =	sdelay $0x3  }
0x36: {  	p1 =	seq.s32 s10, $0x1;
	s10 =	sld [smem:$0x3FB9];
	_ =	sdelay $0x3  }
0x37: {  	[smem:$0x3FB9] =	sst s10  }
0x38: {  	s10 =	sld [smem:$0x3FBA]  }
0x39: {  	_ = 	snop;
	(pc) =	sbr.ind lr, $3  }
0x3a: {  	_ = 	snop  }
0x3b: {  	_ = 	snop  }
0x3c: {  	p2 =	seq.s32 s10, $0x1;
	s10 =	sld [smem:$0x3FB9]  }
0x3d: {  	_ =	shalt  }
0x3e: {  	_ =	shalt  }
0x3f: {  	_ =	shalt  }
0x40: {  	_ =	shalt  }
0x41: {  	_ =	shalt  }
0x42: {  	_ =	shalt  }
0x43: {  	_ =	shalt  }
0x44: {  	_ =	shalt  }
0x45: {  	_ =	shalt  }
0x46: {  	_ =	shalt  }
0x47: {  	_ =	shalt  }
0x48: {  	_ =	shalt  }
0x49: {  	_ =	shalt  }
0x4a: {  	_ =	shalt  }
0x4b: {  	_ =	shalt  }
0x4c: {  	_ =	shalt  }
0x4d: {  	_ =	shalt  }
0x4e: {  	_ =	shalt  }
0x4f: {  	_ =	shalt  }
0x50: {  	_ =	shalt  }
0x51: {  	_ =	shalt  }
0x52: {  	_ =	shalt  }
0x53: {  	_ =	shalt  }
0x54: {  	_ =	shalt  }
0x55: {  	_ =	shalt  }
0x56: {  	_ =	shalt  }
0x57: {  	_ =	shalt  }
0x58: {  	_ =	shalt  }
0x59: {  	_ =	shalt  }
0x5a: {  	_ =	shalt  }
0x5b: {  	_ =	shalt  }
0x5c: {  	_ =	shalt  }
0x5d: {  	_ =	shalt  }
0x5e: {  	_ =	shalt  }
0x5f: {  	_ =	shalt  }
0x60: {  	_ =	shalt  }
0x61: {  	_ =	shalt  }
0x62: {  	_ =	shalt  }
0x63: {  	_ =	shalt  }
0x64: {  	_ =	shalt  }
0x65: {  	_ =	shalt  }
0x66: {  	_ =	shalt  }
0x67: {  	_ =	shalt  }
0x68: {  	_ =	shalt  }
0x69: {  	_ =	shalt  }
0x6a: {  	_ =	shalt  }
0x6b: {  	_ =	shalt  }
0x6c: {  	_ =	shalt  }
0x6d: {  	_ =	shalt  }
0x6e: {  	_ =	shalt  }
0x6f: {  	_ =	shalt  }
0x70: {  	_ =	shalt  }
0x71: {  	_ =	shalt  }
0x72: {  	_ =	shalt  }
0x73: {  	_ =	shalt  }
0x74: {  	_ =	shalt  }
0x75: {  	_ =	shalt  }
0x76: {  	_ =	shalt  }
0x77: {  	_ =	shalt  }
0x78: {  	_ =	shalt  }
0x79: {  	_ =	shalt  }
0x7a: {  	_ =	shalt  }
0x7b: {  	_ =	shalt  }
0x7c: {  	_ =	shalt  }
0x7d: {  	_ =	shalt  }
0x7e: {  	_ =	shalt  }
0x7f: {  	_ =	shalt  }
0x80: {  	_ =	shalt  }
0x81: {  	_ =	shalt  }
0x82: {  	_ =	shalt  }
0x83: {  	_ =	shalt  }
0x84: {  	_ =	shalt  }
0x85: {  	_ =	shalt  }
0x86: {  	_ =	shalt  }
0x87: {  	_ =	shalt  }
.Lfunc_end0:
.L_simem_size_0:
called_computation_lowered:
.L_overlay_start_0:
0x88: {  	s2 =	sld [smem:$0x3FD9]  }
0x89: {  	s3 =	sld [smem:$0x3FFE];
	_ =	sdelay $0x1  }
0x8a: {  	s1 =	srdreg.scid  }
0x8b: {  	s0 =	sand.u32 $0x1, s1  }
0x8c: {  	s14 =	sshll.u32 s0, $0xA;
	s2 =	sadd.s32 s3, s2  }
0x8d: {  	s2 =	sadd.s32 s2, s14  }
0x8e: {  	[smem:$0x3FC5] =	sst s2  }
0x8f: {  	_ = 	snop  }
0x90: {  	s2 =	sld [smem:$0x3FD0];
	_ =	sdelay $0x2  }
0x91: {  	s15 =	simm.s32 $0xA;
	s4 =	simm.s32 $0x10  }
0x92: {  	[smem:s4], [sflag:s15] =	dma.local [hbm:s2], $0x1  }
0x93: {  	_ =	swait.eq [sflag:s15], $0x1  }
0x94: {  	[sflag:s15] =	ssyncset.done $0x0  }
0x95: {  	[sflag:s15] =	ssyncadd.s32 $0xFFFFFFFF  }
0x96: {  	s16 =	sld [smem:$0x10];
	(tm) =	ssettm $0x1  }
0x97: {  	s17 =	sld [smem:$0x3FFB];
	_ =	sdelay $0x3  }
0x98: {  	_ =	strace s17  }
0x99: {  	s3 =	sld [smem:$0x3FFC];
	_ =	sdelay $0x3  }
0x9a: {  	_ =	strace s3  }
0x9b: {  	s3 =	sld [smem:$0x3FFD];
	_ =	sdelay $0x3  }
0x9c: {  	_ =	strace s3  }
0x9d: {  	_ =	strace $0x8FFFFFFF  }
0x9e: {  	s18 =	sld [smem:$0x3FDB];
	_ =	sdelay $0x1  }
0x9f: {  	s19 =	simm.s32 $_scs_section_size  }
0xa0: {  	s5 =	simm.s32 $_size__tile_overlayer_lowered;
	s6 =	simm.s32 $_tile_overlayer_lowered  }
0xa1: {  	s22 =	simm.s32 $0x1BFF;
	s21 =	sshll.u32 s6, $0x1;
	s3 =	sadd.s32 s19, s18  }
0xa2: {  	s7 =	simm.s32 $0x0;
	s20 =	sshll.u32 s5, $0x1;
	s5 =	sadd.s32 s21, s3  }
0xa3: {  	[timem:s7], [sflag:s22] =	dma.local [hbm:s5], s20  }
0xa4: {  	_ =	swait.ge [sflag:s22], s20  }
0xa5: {  	s4 =	ssub.s32 $0x0, s20;
	[sflag:s22] =	ssyncset.done $0x0  }
0xa6: {  	[sflag:s22] =	ssyncadd.s32 s4;
	_ =	sdelay $0x1  }
0xa7: {  	s23 =	simm.s32 $0x1B8B  }
0xa8: {  	_ =	swait.ge [sflag:s23], $0x1  }
0xa9: {  	[sflag:s23] =	ssyncset.done $0x0  }
0xaa: {  	s25 =	simm.s32 $0x1B8E;
	s24 =	sld [smem:$0x3FFE];
	[sflag:s23] =	ssyncadd.s32 $0xFFFFFFFF  }
0xab: {  	s26 =	simm.s32 $execute0_lowered;
	[smem:$0x3FD2] =	sst s25  }
0xac: {  	s5 =	sshll.u32 s26, $0x1;
	_ =	strace $0x80000046;
	[dreg:$0x1] =	wrdreg $0xFFFFFFFF  }
0xad: {  	s28 =	simm.s32 $_size_execute0_lowered;
	s3 =	sadd.s32 s3, s5;
	[dreg:$0x0] =	wrdreg $0x0  }
0xae: {  	s5 =	sshll.u32 s28, $0x1;
	[dreg:$0x2] =	wrdreg s3  }
0xaf: {  	[dreg:$0x3] =	wrdreg s5  }
0xb0: {  	[dreg:$0x4] =	wrdreg $0xC0  }
0xb1: {  	_ =	task [dreg:s7], $0x5FFFF  }
0xb2: {  	[dreg:$0x1] =	wrdreg $0xFFFFFFFF  }
0xb3: {  	[dreg:$0x0] =	wrdreg $0x60  }
0xb4: {  	[dreg:$0x2] =	wrdreg s24  }
0xb5: {  	[dreg:$0x3] =	wrdreg s16  }
0xb6: {  	[dreg:$0x4] =	wrdreg $0x43000  }
0xb7: {  	[dreg:$0x5] =	wrdreg $0x9  }
0xb8: {  	_ =	task.clear_ibuf [dreg:s7], $0x6FFFF;
	_ =	strace $0x90000046  }
0xb9: {  	s29 =	simm.s32 $0x9;
	_ =	strace $0x80000048  }
0xba: {  	_ =	swait.ge [sflag:s29], $0x1  }
0xbb: {  	[sflag:s29] =	ssyncadd.s32 $0xFFFFFFFF  }
0xbc: {  	_ =	strace $0x90000048  }
0xbd: {  	_ =	sfence  }
0xbe: {  	s30 =	sld [smem:$0x0];
	_ =	sdelay $0x2  }
0xbf: {  	s31 =	sshll.u32 s1, $0xD;
	s1 =	sshrl.u32 s1, $0x2  }
0xc0: {  	s3 =	sand.u32 $0x4000, s31;
	s1 =	sadd.s32 s1, s30  }
0xc1: {  	s0 =	sor.u32 s3, s0;
	s1 =	sshll.u32 s1, $0x11  }
0xc2: {  	s0 =	sor.u32 s1, s0  }
0xc3: {  	s0 =	sadd.s32 $0x8F2B, s0  }
0xc4: {  	[sflag:s0] =	ssyncadd.remote.s32 $0x1  }
0xc5: {  	_ =	sfence.sel $0xFFFF  }
0xc6: {  	[dreg:$0x0] =	wrdreg $0xFFFFFFFF;
	(pc) =	sbr.abs _section_cstart, $3  }
0xc7: {  	[dreg:$0x1] =	wrdreg $0xFFFFFFFF  }
0xc8: {  	_ =	task.clear_ibuf [dreg:s7], $0x2FFFF;
	_ =	strace $0x9FFFFFFF  }
0xc9: {  	(tm) =	ssettm $0x7FFFFFFF  }
tec
execute0_lowered:
.L_overlay_start_1:
0x0: {  	(tag) =	ssettag $0x1  }
0x1: {  	s0 =	srdreg.scid  }
0x2: {  	s5 =	rddreg [dreg:$0x0];
	s7 =	stileid.u32;
	s6 =	sand.u32 $0x1, s0  }
0x3: {  	s8 =	rddreg [dreg:$0x1];
	s30 =	sshll.u32 s7, $0x8;
	s1 =	sshll.u32 s6, $0x7  }
0x4: {  	s4 =	rddreg [dreg:$0x2];
	s9 =	sor.u32 s1, s30  }
0x5: {  	s0 =	rddreg [dreg:$0x3];
	s1 =	simm.s32 $0x0;
	s2 =	sshrl.u32 s9, $0x3  }
0x6: {  	[smem:$0x7FF] =	sst s1;
	s2 =	sadd.s32 s2, s5  }
0x7: {  	_ =	strace $0x80000047;
	s11 =	sadd.s32 $0x20A00, s2;
	s2 =	simm.s32 $0x2  }
0x8: {  	[tilespmem:s1], [sflag:$0x2] =	stream.linear.gather [hbm4b:s11+s1], $0x80, $0x38;
	[tilespmem:$0x4500] =	vst v63  }
0x9: {  	s10 =	ssub.s32 $0x2, s6;
	_ =	swait.ge [sflag:s2], $0x80  }
0xa: {  	s3 =	simm.s32 $0x80;
	s12 =	sshrl.u32 s10, $0x1;
	[sflag:s2] =	ssyncset.done $0x0  }
0xb: {  	s13 =	sadd.s32 $0xA00, s5;
	s10 =	ssub.s32 s10, s12;
	[sflag:s2] =	ssyncadd.s32 $0xFFFFFF80  }
0xc: {  	v0 =	vimm.f32 $0.0e+00;
	[tilespmem:s3], [sflag:$0x1] =	stream.indirect.gather [hbm4b:s13+s3], $0x80, s1, s3, $0xb8;
	[tilespmem:$0x4500] =	vst v63  }
0xd: {  	s10 =	smax.u32 s10, $0x1;
	[tilespmem:$0x4170] =	vst v0  }
0xe: {  	s14 =	sadd.s32 $0xFFFFFFFF, s10;
	[tilespmem:$0x4160] =	vst v0  }
0xf: {  	p1 =	sne.s32 s14, $0x0;
	[tilespmem:$0x4150] =	vst v0  }
.Ltmp0:
0x10: {  	[tilespmem:$0x4140] =	vst v0;
	(pc) =	sbr.rel @!p1 .LBB2_2-.Ltmp0, $4  }
0x11: {  	s31 =	sshll.u32 s7, $0x9;
	p0 =	sne.s32 s7, $0x0;
	s6 =	sshll.u32 s6, $0x4;
	[tilespmem:$0x4130] =	vst v0  }
0x12: {  	s7 =	simm.s32 $0x1;
	s6 =	sadd.s32 s8, s6;
	s9 =	sshll.u32 s9, $0x4;
	[tilespmem:$0x4120] =	vst v0  }
0x13: {  	s8 =	sshrl.u32 @!p0 s4, $0x3;
	s12 =	simm.s32 $0x4100;
	s5 =	sadd.s32 s9, s5;
	[tilespmem:$0x4100] =	vst v0  }
0x14: {  	v1 =	vimm.f32 $1.000000000e+00;
	s9 =	sadd.s32 s31, s4;
	s5 =	sadd.s32 $0x20C00, s5;
	s10 =	simm.s32 $0x4080;
	[tilespmem:$0x4110] =	vst v0  }
.LBB2_1:
0x15: {  	s14 =	sadd.s32 $0xFFFFFFFF, s14;
	[tilespmem:$0x4180] =	vst v0  }
0x16: {  	p1 =	sne.s32 s14, $0x0;
	[tilespmem:$0x4190] =	vst v0  }
0x17: {  	[tilespmem:$0x41A0] =	vst v0  }
0x18: {  	[tilespmem:$0x41B0] =	vst v0  }
0x19: {  	[tilespmem:$0x41C0] =	vst v0  }
0x1a: {  	[tilespmem:$0x41D0] =	vst v0  }
0x1b: {  	[tilespmem:$0x41E0] =	vst v0  }
0x1c: {  	[tilespmem:$0x41F0] =	vst v0  }
0x1d: {  	[tilespmem:$0x4200] =	vst v0  }
0x1e: {  	[tilespmem:$0x4210] =	vst v0  }
0x1f: {  	[tilespmem:$0x4220] =	vst v0  }
0x20: {  	[tilespmem:$0x4230] =	vst v0  }
0x21: {  	[tilespmem:$0x4240] =	vst v0  }
0x22: {  	[tilespmem:$0x4250] =	vst v0  }
0x23: {  	[tilespmem:$0x4260] =	vst v0  }
0x24: {  	[tilespmem:$0x4270] =	vst v0  }
0x25: {  	[tilespmem:$0x4280] =	vst v0  }
0x26: {  	[tilespmem:$0x4290] =	vst v0  }
0x27: {  	[tilespmem:$0x42A0] =	vst v0  }
0x28: {  	[tilespmem:$0x42B0] =	vst v0  }
0x29: {  	[tilespmem:$0x42C0] =	vst v0  }
0x2a: {  	[tilespmem:$0x42D0] =	vst v0  }
0x2b: {  	[tilespmem:$0x42E0] =	vst v0  }
0x2c: {  	[tilespmem:$0x42F0] =	vst v0  }
0x2d: {  	[spmem:s9] =	stream.linear.scatter [tilespmem:s12], [sflag:$0x2], $0x200, $0x38;
	[tilespmem:$0x4500] =	vst v63  }
0x2e: {  	_ =	swait.ge [sflag:s2], $0x200  }
0x2f: {  	[sflag:s2] =	ssyncset.done $0x0  }
0x30: {  	[sflag:s2] =	ssyncadd.s32 $0xFFFFFE00  }
0x31: {  	[tilespmem:$0x4080] =	vst v1  }
0x32: {  	[tilespmem:$0x40F0] =	vst v1  }
0x33: {  	[tilespmem:$0x40E0] =	vst v1  }
0x34: {  	[tilespmem:$0x40D0] =	vst v1  }
0x35: {  	[tilespmem:$0x40C0] =	vst v1  }
0x36: {  	[tilespmem:$0x40B0] =	vst v1  }
0x37: {  	[tilespmem:$0x40A0] =	vst v1  }
0x38: {  	[tilespmem:$0x4090] =	vst v1  }
0x39: {  	[bflag:$0x0] =	sbarrier.arrive $0xFFFF  }
0x3a: {  	[spmem:s4] =	stream.indirect.scatter.add.f32 [tilespmem:s10], [sflag:$0x2], $0x1, s1, s3, $0xb8;
	[tilespmem:$0x4500] =	vst v63  }
0x3b: {  	_ =	swait.ge [sflag:s2], $0x80  }
0x3c: {  	s15 =	simm.s32 @!p0 $0x10;
	s16 =	simm.s32 @!p0 $0x1C02;
	[sflag:s2] =	ssyncset.done $0x0  }
0x3d: {  	s17 =	simm.s32 @!p0 $0x1;
	s18 =	simm.s32 @!p0 $0x20;
	[sflag:s2] =	ssyncadd.s32 $0xFFFFFF80  }
0x3e: {  	s19 =	simm.s32 @!p0 $0x2;
	[bflag:$0x0] =	sbarrier.arrive $0xFFFF  }
0x3f: {  	[hbm:s6@s18], [sflag:s16] =	dma.strided @!p0 [spmem:s8@s15], $0x400, s17, $0x10   }
0x40: {  	_ =	swait.ge @!p0 [sflag:s19], $0x400  }
0x41: {  	[sflag:s19] =	ssyncset.done @!p0 $0x0  }
0x42: {  	[sflag:s19] =	ssyncadd.s32 @!p0 $0xFFFFFC00  }
0x43: {  	_ =	swait.ge [sflag:s7], $0x4000  }
0x44: {  	[sflag:s7] =	ssyncset.done $0x0  }
0x45: {  	[sflag:s7] =	ssyncadd.s32 $0xFFFFC000  }
0x46: {  	[hbm4b:s5+s1] =	stream.linear.scatter [tilespmem:s3], [sflag:$0x2], $0x4000, $0x38;
	[tilespmem:$0x4500] =	vst v63  }
0x47: {  	_ =	swait.ge [sflag:s2], $0x4000  }
0x48: {  	[sflag:s2] =	ssyncset.done $0x0  }
0x49: {  	[sflag:s2] =	ssyncadd.s32 $0xFFFFC000  }
0x4a: {  	[tilespmem:s1], [sflag:$0x2] =	stream.linear.gather [hbm4b:s11+s1], $0x80, $0x38;
	[tilespmem:$0x4500] =	vst v63  }
0x4b: {  	_ =	swait.ge [sflag:s2], $0x80  }
0x4c: {  	[sflag:s2] =	ssyncset.done $0x0  }
0x4d: {  	[sflag:s2] =	ssyncadd.s32 $0xFFFFFF80  }
0x4e: {  	[tilespmem:s3], [sflag:$0x1] =	stream.indirect.gather [hbm4b:s13+s3], $0x80, s1, s3, $0xb8;
	[tilespmem:$0x4500] =	vst v63  }
0x4f: {  	[tilespmem:$0x4170] =	vst v0  }
0x50: {  	[tilespmem:$0x4160] =	vst v0  }
0x51: {  	[tilespmem:$0x4150] =	vst v0  }
.Ltmp1:
0x52: {  	[tilespmem:$0x4140] =	vst v0;
	(pc) =	sbr.rel @p1 .LBB2_1-.Ltmp1, $4  }
0x53: {  	[tilespmem:$0x4130] =	vst v0  }
0x54: {  	[tilespmem:$0x4120] =	vst v0  }
0x55: {  	[tilespmem:$0x4100] =	vst v0  }
0x56: {  	[tilespmem:$0x4110] =	vst v0  }
.LBB2_2:
0x57: {  	[tilespmem:$0x4180] =	vst v0  }
0x58: {  	[tilespmem:$0x4190] =	vst v0  }
0x59: {  	[tilespmem:$0x41A0] =	vst v0  }
0x5a: {  	[tilespmem:$0x41B0] =	vst v0  }
0x5b: {  	[tilespmem:$0x41C0] =	vst v0  }
0x5c: {  	[tilespmem:$0x41D0] =	vst v0  }
0x5d: {  	[tilespmem:$0x41E0] =	vst v0  }
0x5e: {  	[tilespmem:$0x41F0] =	vst v0  }
0x5f: {  	[tilespmem:$0x4200] =	vst v0  }
0x60: {  	[tilespmem:$0x4210] =	vst v0  }
0x61: {  	[tilespmem:$0x4220] =	vst v0  }
0x62: {  	[tilespmem:$0x4230] =	vst v0  }
0x63: {  	[tilespmem:$0x4240] =	vst v0  }
0x64: {  	[tilespmem:$0x4250] =	vst v0  }
0x65: {  	[tilespmem:$0x4260] =	vst v0  }
0x66: {  	[tilespmem:$0x4270] =	vst v0  }
0x67: {  	[tilespmem:$0x4280] =	vst v0  }
0x68: {  	[tilespmem:$0x4290] =	vst v0  }
0x69: {  	[tilespmem:$0x42A0] =	vst v0  }
0x6a: {  	[tilespmem:$0x42B0] =	vst v0  }
0x6b: {  	[tilespmem:$0x42C0] =	vst v0  }
0x6c: {  	[tilespmem:$0x42D0] =	vst v0  }
0x6d: {  	[tilespmem:$0x42E0] =	vst v0  }
0x6e: {  	[tilespmem:$0x42F0] =	vst v0  }
0x6f: {  	[spmem:s9] =	stream.linear.scatter [tilespmem:s12], [sflag:$0x2], $0x200, $0x38;
	[tilespmem:$0x4500] =	vst v63  }
0x70: {  	_ =	swait.ge [sflag:s2], $0x200  }
0x71: {  	[sflag:s2] =	ssyncset.done $0x0  }
0x72: {  	[sflag:s2] =	ssyncadd.s32 $0xFFFFFE00  }
0x73: {  	[tilespmem:$0x4080] =	vst v1  }
0x74: {  	[tilespmem:$0x40F0] =	vst v1  }
0x75: {  	[tilespmem:$0x40E0] =	vst v1  }
0x76: {  	[tilespmem:$0x40D0] =	vst v1  }
0x77: {  	[tilespmem:$0x40C0] =	vst v1  }
0x78: {  	[tilespmem:$0x40B0] =	vst v1  }
0x79: {  	[tilespmem:$0x40A0] =	vst v1  }
0x7a: {  	[tilespmem:$0x4090] =	vst v1  }
0x7b: {  	[bflag:$0x0] =	sbarrier.arrive $0xFFFF  }
0x7c: {  	[spmem:s4] =	stream.indirect.scatter.add.f32 [tilespmem:s10], [sflag:$0x2], $0x1, s1, s3, $0xb8;
	[tilespmem:$0x4500] =	vst v63  }
0x7d: {  	_ =	swait.ge [sflag:s2], $0x80  }
0x7e: {  	s11 =	simm.s32 @!p0 $0x20;
	[sflag:s2] =	ssyncset.done $0x0  }
0x7f: {  	s9 =	simm.s32 @!p0 $0x1C02;
	s12 =	simm.s32 @!p0 $0x2;
	[sflag:s2] =	ssyncadd.s32 $0xFFFFFF80  }
0x80: {  	s4 =	simm.s32 @!p0 $0x10;
	s10 =	simm.s32 @!p0 $0x1;
	[bflag:$0x0] =	sbarrier.arrive $0xFFFF  }
0x81: {  	[hbm:s6@s11], [sflag:s9] =	dma.strided @!p0 [spmem:s8@s4], $0x400, s10, $0x10   }
0x82: {  	_ =	swait.ge @!p0 [sflag:s12], $0x400  }
0x83: {  	[sflag:s12] =	ssyncset.done @!p0 $0x0  }
0x84: {  	[sflag:s12] =	ssyncadd.s32 @!p0 $0xFFFFFC00  }
0x85: {  	_ =	swait.ge [sflag:s7], $0x4000  }
0x86: {  	[sflag:s7] =	ssyncset.done $0x0  }
0x87: {  	[sflag:s7] =	ssyncadd.s32 $0xFFFFC000  }
0x88: {  	[hbm4b:s5+s1] =	stream.linear.scatter [tilespmem:s3], [sflag:$0x2], $0x4000, $0x38;
	[tilespmem:$0x4500] =	vst v63  }
0x89: {  	_ =	swait.ge [sflag:s2], $0x4000  }
0x8a: {  	[sflag:s2] =	ssyncset.done $0x0  }
0x8b: {  	[sflag:s2] =	ssyncadd.s32 $0xFFFFC000  }
0x8c: {  	_ =	sfence.sel $0x180000  }
0x8d: {  	[bflag:$0x0] =	sbarrier.arrive $0xFFFF  }
0x8e: {  	_ =	strace $0x90000047  }
0x8f: {  	s0 =	sadd.s32 @!p0 $0x100000, s0;
	[bflag:$0x2] =	sbarrier.arrive $0xFFFF  }
0x90: {  	[sflag:s0] =	ssyncadd.tile.s32 @!p0 $0x1;
	_ =	shalt  }
.Lfunc_end2:
_tile_overlayer_lowered:
.L_overlay_start_2:
0x91: {  	(tag) =	ssettag $0x2  }
0x92: {  	s0 =	rddreg [dreg:$0x0];
	s2 =	stileid.u32  }
0x93: {  	s1 =	rddreg [dreg:$0x1];
	p0 =	sne.s32 s2, $0x0  }
0x94: {  	s3 =	rddreg [dreg:$0x2];
	[bflag:$0x3] =	sbarrier.arrive $0xFFFF;
	s2 =	simm.s32 @!p0 $0x1C02  }
0x95: {  	[timem:s3], [sflag:s2] =	dma.local @!p0 [hbm:s0], s1  }
0x96: {  	s0 =	simm.s32 @!p0 $0x2  }
0x97: {  	_ =	swait.ge @!p0 [sflag:s0], s1  }
0x98: {  	s1 =	ssub.s32 @!p0 $0x0, s1;
	[sflag:s0] =	ssyncset.done @!p0 $0x0  }
0x99: {  	[sflag:s0] =	ssyncadd.s32 @!p0 s1  }
0x9a: {  	[bflag:$0x3] =	sbarrier.arrive $0xFFFF  }
0x9b: {  	_ =	shalt  }

</sc_bundles>
